<compile_context>
chip_gen: v7x
topology: tpu7x:2x2x1
jax: 0.10.2.dev20260603
libtpu: 0.0.44.dev20260713+nightly
codegen_flags: <defaults>
</compile_context>

<pallas_src>
import functools
import math

import jax
import jax.numpy as jnp
from jax import lax
from jax.experimental import pallas as pl
from jax.experimental.pallas import tpu as pltpu
from jax.experimental.pallas import tpu_sc as plsc

D_MODEL = 64
SCALE = math.sqrt(D_MODEL)
NUM_CORES = 2
NUM_SUBCORES = 16
NUM_WORKERS = NUM_CORES * NUM_SUBCORES
LANES = 16
N_I = 4096
N_J = 200
B_TOTAL = N_I * N_J
PER_WORKER = B_TOTAL // NUM_WORKERS
CHUNK = 256
NCHUNKS = PER_WORKER // CHUNK
TILES_PER_CHUNK = CHUNK // 128
PITCH = 129


def _embed(idx_flat, table):
    mesh = plsc.VectorSubcoreMesh(
        core_axis_name="c", subcore_axis_name="s",
        num_cores=NUM_CORES, num_subcores=NUM_SUBCORES)

    @functools.partial(
        pl.kernel,
        out_type=jax.ShapeDtypeStruct(
            (N_J, D_MODEL // 8, N_I // 128, 8, 128), jnp.float32),
        mesh=mesh,
        scratch_types=[
            pltpu.VMEM((CHUNK,), jnp.int32),
            pltpu.VMEM((CHUNK,), jnp.int32),
            pltpu.VMEM((CHUNK, D_MODEL), jnp.float32),
            pltpu.VMEM((CHUNK, D_MODEL), jnp.float32),
            pltpu.VMEM((D_MODEL // 8, TILES_PER_CHUNK, 8, PITCH), jnp.float32),
            pltpu.VMEM((D_MODEL // 8, TILES_PER_CHUNK, 8, PITCH), jnp.float32),
            pltpu.SemaphoreType.DMA,
            pltpu.SemaphoreType.DMA,
        ],
        compiler_params=pltpu.CompilerParams(
            use_tc_tiling_on_sc=False, needs_layout_passes=False),
    )
    def emb_kernel(idx_hbm, table_hbm, out_hbm, i0, i1, rows0, rows1,
                   tb0, tb1, s0, s1):
        wid = lax.axis_index("s") * NUM_CORES + lax.axis_index("c")
        base = wid * PER_WORKER

        idxb = (i0, i1)
        bufs = (rows0, rows1)
        tbufs = (tb0, tb1)
        sems = (s0, s1)
        iota = lax.iota(jnp.int32, LANES)
        blk_base = iota // 8
        cin_vec = iota % 8

        def gather_start(g, b):
            pltpu.sync_copy(idx_hbm.at[pl.ds(base + g * CHUNK, CHUNK)],
                            idxb[b])
            pltpu.async_copy(table_hbm.at[idxb[b]], bufs[b], sems[b])

        def transpose_store(g, b):
            rows = bufs[b]
            tb = tbufs[b]

            def tr_body(i):
                t = i // 128
                t_vec = jnp.full((LANES,), 0, jnp.int32) + t
                iin_vec = jnp.full((LANES,), 0, jnp.int32) + (i % 128)
                for g8 in range(D_MODEL // LANES):
                    vals = rows[i, pl.ds(g8 * LANES, LANES)]
                    plsc.store_scatter(
                        tb,
                        [blk_base + g8 * 2, t_vec, cin_vec, iin_vec],
                        vals * SCALE)

            plsc.parallel_loop(0, CHUNK, 1, unroll=8)(tr_body)

            m0 = base + g * CHUNK
            j = m0 // N_I
            it0 = (m0 % N_I) // 128
            pltpu.sync_copy(tb.at[:, :, :, pl.ds(0, 128)],
                            out_hbm.at[j, :, pl.ds(it0, TILES_PER_CHUNK)])

        gather_start(0, 0)

        def pair_body(h, carry):
            for b in range(2):
                g = 2 * h + b

                @pl.when(g + 1 < NCHUNKS)
                def _start_next():
                    gather_start(g + 1, 1 - b)

                pltpu.make_async_copy(
                    table_hbm.at[idxb[b]], bufs[b], sems[b]).wait()
                transpose_store(g, b)
            return carry

        lax.fori_loop(0, NCHUNKS // 2, pair_body, 0)

    return emb_kernel(idx_flat, table)


def kernel(x, table):
    idx_flat = x.T.reshape(-1).astype(jnp.int32)
    out5 = _embed(idx_flat, table)
    return (out5.transpose(2, 4, 0, 1, 3)
            .reshape(N_I, N_J, D_MODEL))

# --- scband reference (transcript-rebuilt; emitter-appended) ---
"""Pipeline reference for scband-embedding-33672543601178 (READ-ONLY COPY).

The authoritative reference and input builder live on the scoring server;
editing this copy changes nothing except your own understanding.
"""

import jax, jax.numpy as jnp
import numpy as np
import math

D_MODEL = 64
VOCAB_SIZE = 1000000

def setup_inputs(seed: int = 0) -> dict:
    key = jax.random.key(seed)
    k_idx, k_tab = jax.random.split(key)
    x = jax.random.randint(k_idx, (4096, 200), 0, VOCAB_SIZE, dtype=jnp.int64 if jax.config.jax_enable_x64 else jnp.int32)
    table = jax.random.normal(k_tab, (VOCAB_SIZE, D_MODEL), dtype=jnp.float32)
    return {"x": x, "table": table}

def reference(x, table):
    # nn.Embedding lookup followed by sqrt(d_model) scaling
    emb = jnp.take(table, x, axis=0)
    return emb * math.sqrt(D_MODEL)

if __name__ == "__main__":
    import jax
    _d = setup_inputs()
    print(jax.jit(kernel)(*tuple(_d.values())))

</pallas_src>

<mosaic_0001>
#map = affine_map<(d0, d1) -> (0)>
#map1 = affine_map<(d0, d1) -> (0, 0)>
#map2 = affine_map<(d0, d1) -> (0, 0, 0, 0, 0)>
module attributes {stable_mosaic.version = 14 : i64} {
  func.func @emb_kernel(%arg0: i32, %arg1: i32, %arg2: memref<819200xi32, #tpu.memory_space<hbm>>, %arg3: memref<1000000x64xf32, #tpu.memory_space<hbm>>, %arg4: memref<200x8x32x8x128xf32, #tpu.memory_space<hbm>>, %arg5: memref<256xi32, #tpu.memory_space<vmem>>, %arg6: memref<256xi32, #tpu.memory_space<vmem>>, %arg7: memref<256x64xf32, #tpu.memory_space<vmem>>, %arg8: memref<256x64xf32, #tpu.memory_space<vmem>>, %arg9: memref<8x2x8x129xf32, #tpu.memory_space<vmem>>, %arg10: memref<8x2x8x129xf32, #tpu.memory_space<vmem>>, %arg11: memref<!tpu.dma_semaphore, #tpu.memory_space<semaphore_mem>>, %arg12: memref<!tpu.dma_semaphore, #tpu.memory_space<semaphore_mem>>) attributes {dimension_semantics = [#tpu.dimension_semantics<core_parallel>, #tpu.dimension_semantics<subcore_parallel>], iteration_bounds = array<i64: 2, 16>, scalar_prefetch = 0 : i64, scratch_operands = 8 : i64, tpu.core_type = #tpu.core_type<sc_vector_subcore>, window_params = [{transform_indices = #map}, {transform_indices = #map1}, {transform_indices = #map2}]} {
    %mul3A = arith.constant 2 : i32
    %mul3A_0 = arith.muli %arg1, %mul3A : i32
    %add3A = arith.addi %mul3A_0, %arg0 : i32
    %mul3A_1 = arith.constant 25600 : i32
    %mul3A_2 = arith.muli %add3A, %mul3A_1 : i32
    %iota3A = tpu.iota {dimensions = array<i32: 0>} : vector<16xi32>
    %jit3A = arith.constant 8 : i32
    %div3A = vector.broadcast %jit3A : i32 to vector<16xi32>
    %div3A_3 = arith.divsi %iota3A, %div3A : vector<16xi32>
    %sign3A = arith.constant 0 : i32
    %sign3A_4 = vector.broadcast %sign3A : i32 to vector<16xi32>
    %sign3A_5 = arith.cmpi sgt, %iota3A, %sign3A_4 : vector<16xi32>
    %sign3A_6 = arith.extui %sign3A_5 : vector<16xi1> to vector<16xi32>
    %sign3A_7 = arith.constant 0 : i32
    %sign3A_8 = vector.broadcast %sign3A_7 : i32 to vector<16xi32>
    %sign3A_9 = arith.cmpi slt, %iota3A, %sign3A_8 : vector<16xi32>
    %sign3A_10 = arith.extui %sign3A_9 : vector<16xi1> to vector<16xi32>
    %sign3A_11 = arith.subi %sign3A_6, %sign3A_10 : vector<16xi32>
    %sign3A_12 = arith.constant 0 : i32
    %sign3A_13 = arith.cmpi sgt, %jit3A, %sign3A_12 : i32
    %sign3A_14 = arith.extui %sign3A_13 : i1 to i32
    %sign3A_15 = arith.constant 0 : i32
    %sign3A_16 = arith.cmpi slt, %jit3A, %sign3A_15 : i32
    %sign3A_17 = arith.extui %sign3A_16 : i1 to i32
    %sign3A_18 = arith.subi %sign3A_14, %sign3A_17 : i32
    %ne3A = vector.broadcast %sign3A_18 : i32 to vector<16xi32>
    %ne3A_19 = arith.cmpi ne, %sign3A_11, %ne3A : vector<16xi32>
    %rem3A = vector.broadcast %jit3A : i32 to vector<16xi32>
    %rem3A_20 = arith.remsi %iota3A, %rem3A : vector<16xi32>
    %ne3A_21 = arith.constant 0 : i32
    %ne3A_22 = vector.broadcast %ne3A_21 : i32 to vector<16xi32>
    %ne3A_23 = arith.cmpi ne, %rem3A_20, %ne3A_22 : vector<16xi32>
    %and3A = arith.andi %ne3A_19, %ne3A_23 : vector<16xi1>
    %sub3A = arith.constant 1 : i32
    %sub3A_24 = vector.broadcast %sub3A : i32 to vector<16xi32>
    %sub3A_25 = arith.subi %div3A_3, %sub3A_24 : vector<16xi32>
    %select_n3A = arith.select %and3A, %sub3A_25, %div3A_3 : vector<16xi1>, vector<16xi32>
    %jit3A_26 = arith.constant 8 : i32
    %eq3A = arith.constant 0 : i32
    %eq3A_27 = arith.cmpi eq, %jit3A_26, %eq3A : i32
    %jit3A_28 = arith.constant 1 : i32
    %select_n3A_29 = arith.select %eq3A_27, %jit3A_28, %jit3A_26 : i32
    %rem3A_30 = vector.broadcast %select_n3A_29 : i32 to vector<16xi32>
    %rem3A_31 = arith.remsi %iota3A, %rem3A_30 : vector<16xi32>
    %ne3A_32 = arith.constant 0 : i32
    %ne3A_33 = vector.broadcast %ne3A_32 : i32 to vector<16xi32>
    %ne3A_34 = arith.cmpi ne, %rem3A_31, %ne3A_33 : vector<16xi32>
    %lt3A = arith.constant 0 : i32
    %lt3A_35 = vector.broadcast %lt3A : i32 to vector<16xi32>
    %lt3A_36 = arith.cmpi slt, %rem3A_31, %lt3A_35 : vector<16xi32>
    %lt3A_37 = arith.constant 0 : i32
    %lt3A_38 = arith.cmpi slt, %select_n3A_29, %lt3A_37 : i32
    %ne3A_39 = vector.broadcast %lt3A_38 : i1 to vector<16xi1>
    %ne3A_40 = vector.broadcast %ne3A_39 : vector<16xi1> to vector<16xi1>
    %ne3A_41 = arith.xori %lt3A_36, %ne3A_40 : vector<16xi1>
    %and3A_42 = arith.andi %ne3A_41, %ne3A_34 : vector<16xi1>
    %add3A_43 = vector.broadcast %select_n3A_29 : i32 to vector<16xi32>
    %add3A_44 = arith.addi %rem3A_31, %add3A_43 : vector<16xi32>
    %select_n3A_45 = arith.select %and3A_42, %add3A_44, %rem3A_31 : vector<16xi1>, vector<16xi32>
    %add3A_46 = arith.constant 0 : i32
    %add3A_47 = arith.addi %mul3A_2, %add3A_46 : i32
    "tpu.region"() ({
      %run_scoped3A = tpu.sem_alloc : memref<!tpu.dma_semaphore, #tpu.memory_space<semaphore_mem>>
      %dma_start3A_55 = tpu.memref_slice %arg2[%add3A_47] : memref<819200xi32, #tpu.memory_space<hbm>> -> memref<256xi32, #tpu.memory_space<hbm>>
      %dma_start3A_56 = tpu.memref_slice %arg2[%add3A_47] : memref<819200xi32, #tpu.memory_space<hbm>> -> memref<256xi32, #tpu.memory_space<hbm>>
      tpu.enqueue_dma source(%dma_start3A_56 : memref<256xi32, #tpu.memory_space<hbm>>) target(%arg5 : memref<256xi32, #tpu.memory_space<vmem>>) target_semaphore(%run_scoped3A : memref<!tpu.dma_semaphore, #tpu.memory_space<semaphore_mem>>)
      %dma_wait3A = tpu.memref_slice %arg2[%add3A_47] : memref<819200xi32, #tpu.memory_space<hbm>> -> memref<256xi32, #tpu.memory_space<hbm>>
      %dma_wait3A_57 = tpu.memref_slice %arg2[%add3A_47] : memref<819200xi32, #tpu.memory_space<hbm>> -> memref<256xi32, #tpu.memory_space<hbm>>
      tpu.wait_dma2 semaphore(%run_scoped3A : memref<!tpu.dma_semaphore, #tpu.memory_space<semaphore_mem>>) src(%dma_wait3A_57 : memref<256xi32, #tpu.memory_space<hbm>>) dst(%arg5 : memref<256xi32, #tpu.memory_space<vmem>>)
      tpu.yield
    }) : () -> ()
    %dma_start3A = arith.constant 0 : i32
    %dma_start3A_48 = arith.constant 0 : i32
    %dma_start3A_49 = tpu.memref_slice %arg3[%dma_start3A, %dma_start3A_48] : memref<1000000x64xf32, #tpu.memory_space<hbm>> -> memref<1000000x64xf32, #tpu.memory_space<hbm>>
    tpu.enqueue_indirect_dma source(%dma_start3A_49 : memref<1000000x64xf32, #tpu.memory_space<hbm>>) target(%arg7 : memref<256x64xf32, #tpu.memory_space<vmem>>) offsets(%arg5 : memref<256xi32, #tpu.memory_space<vmem>>) semaphore(%arg11 : memref<!tpu.dma_semaphore, #tpu.memory_space<semaphore_mem>>)
    %scan3A = arith.constant 0 : i32
    %scan3A_50 = arith.constant 0 : i32
    %scan3A_51 = arith.constant 50 : i32
    %scan3A_52 = arith.addi %scan3A_50, %scan3A_51 : i32
    %scan3A_53 = arith.constant 1 : i32
    scf.for %scan3A_55 = %scan3A_50 to %scan3A_52 step %scan3A_53  : i32 {
      %mul3A_56 = arith.constant 2 : i32
      %mul3A_57 = arith.muli %mul3A_56, %scan3A_55 : i32
      %add3A_58 = arith.constant 0 : i32
      %add3A_59 = arith.addi %mul3A_57, %add3A_58 : i32
      %add3A_60 = arith.constant 1 : i32
      %add3A_61 = arith.addi %add3A_59, %add3A_60 : i32
      %lt3A_62 = arith.constant 100 : i32
      %lt3A_63 = arith.cmpi slt, %add3A_61, %lt3A_62 : i32
      %convert_element_type3A = arith.extui %lt3A_63 : i1 to i32
      %cond3A = arith.constant 0 : i32
      %cond3A_64 = arith.cmpi ne, %convert_element_type3A, %cond3A : i32
      scf.if %cond3A_64 {
        %add3A_220 = arith.constant 1 : i32
        %add3A_221 = arith.addi %add3A_59, %add3A_220 : i32
        %mul3A_222 = arith.constant 256 : i32
        %mul3A_223 = arith.muli %add3A_221, %mul3A_222 : i32
        %add3A_224 = arith.addi %mul3A_2, %mul3A_223 : i32
        "tpu.region"() ({
          %run_scoped3A = tpu.sem_alloc : memref<!tpu.dma_semaphore, #tpu.memory_space<semaphore_mem>>
          %dma_start3A_228 = tpu.memref_slice %arg2[%add3A_224] : memref<819200xi32, #tpu.memory_space<hbm>> -> memref<256xi32, #tpu.memory_space<hbm>>
          %dma_start3A_229 = tpu.memref_slice %arg2[%add3A_224] : memref<819200xi32, #tpu.memory_space<hbm>> -> memref<256xi32, #tpu.memory_space<hbm>>
          tpu.enqueue_dma source(%dma_start3A_229 : memref<256xi32, #tpu.memory_space<hbm>>) target(%arg6 : memref<256xi32, #tpu.memory_space<vmem>>) target_semaphore(%run_scoped3A : memref<!tpu.dma_semaphore, #tpu.memory_space<semaphore_mem>>)
          %dma_wait3A_230 = tpu.memref_slice %arg2[%add3A_224] : memref<819200xi32, #tpu.memory_space<hbm>> -> memref<256xi32, #tpu.memory_space<hbm>>
          %dma_wait3A_231 = tpu.memref_slice %arg2[%add3A_224] : memref<819200xi32, #tpu.memory_space<hbm>> -> memref<256xi32, #tpu.memory_space<hbm>>
          tpu.wait_dma2 semaphore(%run_scoped3A : memref<!tpu.dma_semaphore, #tpu.memory_space<semaphore_mem>>) src(%dma_wait3A_231 : memref<256xi32, #tpu.memory_space<hbm>>) dst(%arg6 : memref<256xi32, #tpu.memory_space<vmem>>)
          tpu.yield
        }) : () -> ()
        %dma_start3A_225 = arith.constant 0 : i32
        %dma_start3A_226 = arith.constant 0 : i32
        %dma_start3A_227 = tpu.memref_slice %arg3[%dma_start3A_225, %dma_start3A_226] : memref<1000000x64xf32, #tpu.memory_space<hbm>> -> memref<1000000x64xf32, #tpu.memory_space<hbm>>
        tpu.enqueue_indirect_dma source(%dma_start3A_227 : memref<1000000x64xf32, #tpu.memory_space<hbm>>) target(%arg8 : memref<256x64xf32, #tpu.memory_space<vmem>>) offsets(%arg6 : memref<256xi32, #tpu.memory_space<vmem>>) semaphore(%arg12 : memref<!tpu.dma_semaphore, #tpu.memory_space<semaphore_mem>>)
      } else {
      }
      %dma_wait3A = arith.constant 0 : i32
      %dma_wait3A_65 = arith.constant 0 : i32
      %dma_wait3A_66 = tpu.memref_slice %arg3[%dma_wait3A, %dma_wait3A_65] : memref<1000000x64xf32, #tpu.memory_space<hbm>> -> memref<1000000x64xf32, #tpu.memory_space<hbm>>
      tpu.wait_indirect_dma semaphore(%arg11 : memref<!tpu.dma_semaphore, #tpu.memory_space<semaphore_mem>>) src(%dma_wait3A_66 : memref<1000000x64xf32, #tpu.memory_space<hbm>>) dst(%arg7 : memref<256x64xf32, #tpu.memory_space<vmem>>)
      %parallel_loop3A = arith.constant 0 : i32
      %parallel_loop3A_67 = arith.constant 256 : i32
      %parallel_loop3A_68 = arith.constant 1 : i32
      scf.for %parallel_loop3A_220 = %parallel_loop3A to %parallel_loop3A_67 step %parallel_loop3A_68  : i32 {
        %parallel_loop3A_221 = arith.constant 128 : i32
        %parallel_loop3A_222 = arith.divsi %parallel_loop3A_220, %parallel_loop3A_221 : i32
        %parallel_loop3A_223 = arith.constant 0 : i32
        %parallel_loop3A_224 = arith.cmpi sgt, %parallel_loop3A_220, %parallel_loop3A_223 : i32
        %parallel_loop3A_225 = arith.extui %parallel_loop3A_224 : i1 to i32
        %parallel_loop3A_226 = arith.constant 0 : i32
        %parallel_loop3A_227 = arith.cmpi slt, %parallel_loop3A_220, %parallel_loop3A_226 : i32
        %parallel_loop3A_228 = arith.extui %parallel_loop3A_227 : i1 to i32
        %parallel_loop3A_229 = arith.subi %parallel_loop3A_225, %parallel_loop3A_228 : i32
        %parallel_loop3A_230 = arith.constant 0 : i32
        %parallel_loop3A_231 = arith.cmpi sgt, %parallel_loop3A_221, %parallel_loop3A_230 : i32
        %parallel_loop3A_232 = arith.extui %parallel_loop3A_231 : i1 to i32
        %parallel_loop3A_233 = arith.constant 0 : i32
        %parallel_loop3A_234 = arith.cmpi slt, %parallel_loop3A_221, %parallel_loop3A_233 : i32
        %parallel_loop3A_235 = arith.extui %parallel_loop3A_234 : i1 to i32
        %parallel_loop3A_236 = arith.subi %parallel_loop3A_232, %parallel_loop3A_235 : i32
        %parallel_loop3A_237 = arith.cmpi ne, %parallel_loop3A_229, %parallel_loop3A_236 : i32
        %parallel_loop3A_238 = arith.remsi %parallel_loop3A_220, %parallel_loop3A_221 : i32
        %parallel_loop3A_239 = arith.constant 0 : i32
        %parallel_loop3A_240 = arith.cmpi ne, %parallel_loop3A_238, %parallel_loop3A_239 : i32
        %parallel_loop3A_241 = arith.andi %parallel_loop3A_237, %parallel_loop3A_240 : i1
        %parallel_loop3A_242 = arith.constant 1 : i32
        %parallel_loop3A_243 = arith.subi %parallel_loop3A_222, %parallel_loop3A_242 : i32
        %parallel_loop3A_244 = arith.select %parallel_loop3A_241, %parallel_loop3A_243, %parallel_loop3A_222 : i32
        %parallel_loop3A_245 = arith.constant 0 : i32
        %parallel_loop3A_246 = vector.broadcast %parallel_loop3A_245 : i32 to vector<16xi32>
        %parallel_loop3A_247 = vector.broadcast %parallel_loop3A_244 : i32 to vector<16xi32>
        %parallel_loop3A_248 = arith.addi %parallel_loop3A_246, %parallel_loop3A_247 : vector<16xi32>
        %parallel_loop3A_249 = arith.constant 0 : i32
        %parallel_loop3A_250 = vector.broadcast %parallel_loop3A_249 : i32 to vector<16xi32>
        %parallel_loop3A_251 = arith.constant 128 : i32
        %parallel_loop3A_252 = arith.constant 0 : i32
        %parallel_loop3A_253 = arith.cmpi eq, %parallel_loop3A_251, %parallel_loop3A_252 : i32
        %parallel_loop3A_254 = arith.constant 1 : i32
        %parallel_loop3A_255 = arith.select %parallel_loop3A_253, %parallel_loop3A_254, %parallel_loop3A_251 : i32
        %parallel_loop3A_256 = arith.remsi %parallel_loop3A_220, %parallel_loop3A_255 : i32
        %parallel_loop3A_257 = arith.constant 0 : i32
        %parallel_loop3A_258 = arith.cmpi ne, %parallel_loop3A_256, %parallel_loop3A_257 : i32
        %parallel_loop3A_259 = arith.constant 0 : i32
        %parallel_loop3A_260 = arith.cmpi slt, %parallel_loop3A_256, %parallel_loop3A_259 : i32
        %parallel_loop3A_261 = arith.constant 0 : i32
        %parallel_loop3A_262 = arith.cmpi slt, %parallel_loop3A_255, %parallel_loop3A_261 : i32
        %parallel_loop3A_263 = arith.xori %parallel_loop3A_260, %parallel_loop3A_262 : i1
        %parallel_loop3A_264 = arith.andi %parallel_loop3A_263, %parallel_loop3A_258 : i1
        %parallel_loop3A_265 = arith.addi %parallel_loop3A_256, %parallel_loop3A_255 : i32
        %parallel_loop3A_266 = arith.select %parallel_loop3A_264, %parallel_loop3A_265, %parallel_loop3A_256 : i32
        %parallel_loop3A_267 = vector.broadcast %parallel_loop3A_266 : i32 to vector<16xi32>
        %parallel_loop3A_268 = arith.addi %parallel_loop3A_250, %parallel_loop3A_267 : vector<16xi32>
        %parallel_loop3A_269 = arith.index_cast %parallel_loop3A_220 : i32 to index
        %parallel_loop3A_270 = arith.constant 0 : index
        %parallel_loop3A_271 = tpu.vector_load %arg7[%parallel_loop3A_269, %parallel_loop3A_270] {strides = array<i32>} : memref<256x64xf32, #tpu.memory_space<vmem>>, vector<16xf32>,
        %parallel_loop3A_272 = arith.constant 0 : i32
        %parallel_loop3A_273 = vector.broadcast %parallel_loop3A_272 : i32 to vector<16xi32>
        %parallel_loop3A_274 = arith.addi %select_n3A, %parallel_loop3A_273 : vector<16xi32>
        %parallel_loop3A_275 = arith.constant 8.000000e+00 : f32
        %parallel_loop3A_276 = vector.broadcast %parallel_loop3A_275 : f32 to vector<16xf32>
        %parallel_loop3A_277 = arith.mulf %parallel_loop3A_271, %parallel_loop3A_276 : vector<16xf32>
        tpu.vector_store_idx %arg9[%parallel_loop3A_274, %parallel_loop3A_248, %select_n3A_45, %parallel_loop3A_268], %parallel_loop3A_277 : memref<8x2x8x129xf32, #tpu.memory_space<vmem>>[vector<16xi32>, vector<16xi32>, vector<16xi32>, vector<16xi32>], vector<16xf32>,
        %parallel_loop3A_278 = arith.index_cast %parallel_loop3A_220 : i32 to index
        %parallel_loop3A_279 = arith.constant 16 : index
        %parallel_loop3A_280 = tpu.vector_load %arg7[%parallel_loop3A_278, %parallel_loop3A_279] {strides = array<i32>} : memref<256x64xf32, #tpu.memory_space<vmem>>, vector<16xf32>,
        %parallel_loop3A_281 = arith.constant 2 : i32
        %parallel_loop3A_282 = vector.broadcast %parallel_loop3A_281 : i32 to vector<16xi32>
        %parallel_loop3A_283 = arith.addi %select_n3A, %parallel_loop3A_282 : vector<16xi32>
        %parallel_loop3A_284 = arith.constant 8.000000e+00 : f32
        %parallel_loop3A_285 = vector.broadcast %parallel_loop3A_284 : f32 to vector<16xf32>
        %parallel_loop3A_286 = arith.mulf %parallel_loop3A_280, %parallel_loop3A_285 : vector<16xf32>
        tpu.vector_store_idx %arg9[%parallel_loop3A_283, %parallel_loop3A_248, %select_n3A_45, %parallel_loop3A_268], %parallel_loop3A_286 : memref<8x2x8x129xf32, #tpu.memory_space<vmem>>[vector<16xi32>, vector<16xi32>, vector<16xi32>, vector<16xi32>], vector<16xf32>,
        %parallel_loop3A_287 = arith.index_cast %parallel_loop3A_220 : i32 to index
        %parallel_loop3A_288 = arith.constant 32 : index
        %parallel_loop3A_289 = tpu.vector_load %arg7[%parallel_loop3A_287, %parallel_loop3A_288] {strides = array<i32>} : memref<256x64xf32, #tpu.memory_space<vmem>>, vector<16xf32>,
        %parallel_loop3A_290 = arith.constant 4 : i32
        %parallel_loop3A_291 = vector.broadcast %parallel_loop3A_290 : i32 to vector<16xi32>
        %parallel_loop3A_292 = arith.addi %select_n3A, %parallel_loop3A_291 : vector<16xi32>
        %parallel_loop3A_293 = arith.constant 8.000000e+00 : f32
        %parallel_loop3A_294 = vector.broadcast %parallel_loop3A_293 : f32 to vector<16xf32>
        %parallel_loop3A_295 = arith.mulf %parallel_loop3A_289, %parallel_loop3A_294 : vector<16xf32>
        tpu.vector_store_idx %arg9[%parallel_loop3A_292, %parallel_loop3A_248, %select_n3A_45, %parallel_loop3A_268], %parallel_loop3A_295 : memref<8x2x8x129xf32, #tpu.memory_space<vmem>>[vector<16xi32>, vector<16xi32>, vector<16xi32>, vector<16xi32>], vector<16xf32>,
        %parallel_loop3A_296 = arith.index_cast %parallel_loop3A_220 : i32 to index
        %parallel_loop3A_297 = arith.constant 48 : index
        %parallel_loop3A_298 = tpu.vector_load %arg7[%parallel_loop3A_296, %parallel_loop3A_297] {strides = array<i32>} : memref<256x64xf32, #tpu.memory_space<vmem>>, vector<16xf32>,
        %parallel_loop3A_299 = arith.constant 6 : i32
        %parallel_loop3A_300 = vector.broadcast %parallel_loop3A_299 : i32 to vector<16xi32>
        %parallel_loop3A_301 = arith.addi %select_n3A, %parallel_loop3A_300 : vector<16xi32>
        %parallel_loop3A_302 = arith.constant 8.000000e+00 : f32
        %parallel_loop3A_303 = vector.broadcast %parallel_loop3A_302 : f32 to vector<16xf32>
        %parallel_loop3A_304 = arith.mulf %parallel_loop3A_298, %parallel_loop3A_303 : vector<16xf32>
        tpu.vector_store_idx %arg9[%parallel_loop3A_301, %parallel_loop3A_248, %select_n3A_45, %parallel_loop3A_268], %parallel_loop3A_304 : memref<8x2x8x129xf32, #tpu.memory_space<vmem>>[vector<16xi32>, vector<16xi32>, vector<16xi32>, vector<16xi32>], vector<16xf32>,
      } {sc.loop_unroll_factor = 8 : i64, sc.parallel_access}
      %mul3A_69 = arith.constant 256 : i32
      %mul3A_70 = arith.muli %add3A_59, %mul3A_69 : i32
      %add3A_71 = arith.addi %mul3A_2, %mul3A_70 : i32
      %jit3A_72 = arith.constant 4096 : i32
      %div3A_73 = arith.divsi %add3A_71, %jit3A_72 : i32
      %sign3A_74 = arith.constant 0 : i32
      %sign3A_75 = arith.cmpi sgt, %add3A_71, %sign3A_74 : i32
      %sign3A_76 = arith.extui %sign3A_75 : i1 to i32
      %sign3A_77 = arith.constant 0 : i32
      %sign3A_78 = arith.cmpi slt, %add3A_71, %sign3A_77 : i32
      %sign3A_79 = arith.extui %sign3A_78 : i1 to i32
      %sign3A_80 = arith.subi %sign3A_76, %sign3A_79 : i32
      %sign3A_81 = arith.constant 0 : i32
      %sign3A_82 = arith.cmpi sgt, %jit3A_72, %sign3A_81 : i32
      %sign3A_83 = arith.extui %sign3A_82 : i1 to i32
      %sign3A_84 = arith.constant 0 : i32
      %sign3A_85 = arith.cmpi slt, %jit3A_72, %sign3A_84 : i32
      %sign3A_86 = arith.extui %sign3A_85 : i1 to i32
      %sign3A_87 = arith.subi %sign3A_83, %sign3A_86 : i32
      %ne3A_88 = arith.cmpi ne, %sign3A_80, %sign3A_87 : i32
      %rem3A_89 = arith.remsi %add3A_71, %jit3A_72 : i32
      %ne3A_90 = arith.constant 0 : i32
      %ne3A_91 = arith.cmpi ne, %rem3A_89, %ne3A_90 : i32
      %and3A_92 = arith.andi %ne3A_88, %ne3A_91 : i1
      %sub3A_93 = arith.constant 1 : i32
      %sub3A_94 = arith.subi %div3A_73, %sub3A_93 : i32
      %select_n3A_95 = arith.select %and3A_92, %sub3A_94, %div3A_73 : i32
      %jit3A_96 = arith.constant 4096 : i32
      %eq3A_97 = arith.constant 0 : i32
      %eq3A_98 = arith.cmpi eq, %jit3A_96, %eq3A_97 : i32
      %jit3A_99 = arith.constant 1 : i32
      %select_n3A_100 = arith.select %eq3A_98, %jit3A_99, %jit3A_96 : i32
      %rem3A_101 = arith.remsi %add3A_71, %select_n3A_100 : i32
      %ne3A_102 = arith.constant 0 : i32
      %ne3A_103 = arith.cmpi ne, %rem3A_101, %ne3A_102 : i32
      %lt3A_104 = arith.constant 0 : i32
      %lt3A_105 = arith.cmpi slt, %rem3A_101, %lt3A_104 : i32
      %lt3A_106 = arith.constant 0 : i32
      %lt3A_107 = arith.cmpi slt, %select_n3A_100, %lt3A_106 : i32
      %ne3A_108 = arith.xori %lt3A_105, %lt3A_107 : i1
      %and3A_109 = arith.andi %ne3A_108, %ne3A_103 : i1
      %add3A_110 = arith.addi %rem3A_101, %select_n3A_100 : i32
      %select_n3A_111 = arith.select %and3A_109, %add3A_110, %rem3A_101 : i32
      %jit3A_112 = arith.constant 128 : i32
      %div3A_113 = arith.divsi %select_n3A_111, %jit3A_112 : i32
      %sign3A_114 = arith.constant 0 : i32
      %sign3A_115 = arith.cmpi sgt, %select_n3A_111, %sign3A_114 : i32
      %sign3A_116 = arith.extui %sign3A_115 : i1 to i32
      %sign3A_117 = arith.constant 0 : i32
      %sign3A_118 = arith.cmpi slt, %select_n3A_111, %sign3A_117 : i32
      %sign3A_119 = arith.extui %sign3A_118 : i1 to i32
      %sign3A_120 = arith.subi %sign3A_116, %sign3A_119 : i32
      %sign3A_121 = arith.constant 0 : i32
      %sign3A_122 = arith.cmpi sgt, %jit3A_112, %sign3A_121 : i32
      %sign3A_123 = arith.extui %sign3A_122 : i1 to i32
      %sign3A_124 = arith.constant 0 : i32
      %sign3A_125 = arith.cmpi slt, %jit3A_112, %sign3A_124 : i32
      %sign3A_126 = arith.extui %sign3A_125 : i1 to i32
      %sign3A_127 = arith.subi %sign3A_123, %sign3A_126 : i32
      %ne3A_128 = arith.cmpi ne, %sign3A_120, %sign3A_127 : i32
      %rem3A_129 = arith.remsi %select_n3A_111, %jit3A_112 : i32
      %ne3A_130 = arith.constant 0 : i32
      %ne3A_131 = arith.cmpi ne, %rem3A_129, %ne3A_130 : i32
      %and3A_132 = arith.andi %ne3A_128, %ne3A_131 : i1
      %sub3A_133 = arith.constant 1 : i32
      %sub3A_134 = arith.subi %div3A_113, %sub3A_133 : i32
      %select_n3A_135 = arith.select %and3A_132, %sub3A_134, %div3A_113 : i32
      "tpu.region"() ({
        %run_scoped3A = tpu.sem_alloc : memref<!tpu.dma_semaphore, #tpu.memory_space<semaphore_mem>>
        %dma_start3A_220 = arith.constant 0 : i32
        %dma_start3A_221 = arith.constant 0 : i32
        %dma_start3A_222 = arith.constant 0 : i32
        %dma_start3A_223 = arith.constant 0 : i32
        %dma_start3A_224 = tpu.memref_slice %arg9[%dma_start3A_220, %dma_start3A_221, %dma_start3A_222, %dma_start3A_223] : memref<8x2x8x129xf32, #tpu.memory_space<vmem>> -> memref<8x2x8x128xf32, #tpu.memory_space<vmem>>
        %dma_start3A_225 = arith.constant 0 : i32
        %dma_start3A_226 = arith.constant 0 : i32
        %dma_start3A_227 = arith.constant 0 : i32
        %dma_start3A_228 = tpu.memref_slice %arg4[%select_n3A_95, %dma_start3A_225, %select_n3A_135, %dma_start3A_226, %dma_start3A_227] : memref<200x8x32x8x128xf32, #tpu.memory_space<hbm>> -> memref<1x8x2x8x128xf32, #tpu.memory_space<hbm>>
        %dma_start3A_229 = tpu.memref_squeeze %dma_start3A_228 : memref<1x8x2x8x128xf32, #tpu.memory_space<hbm>> -> memref<8x2x8x128xf32, #tpu.memory_space<hbm>>
        %dma_start3A_230 = arith.constant 0 : i32
        %dma_start3A_231 = arith.constant 0 : i32
        %dma_start3A_232 = arith.constant 0 : i32
        %dma_start3A_233 = tpu.memref_slice %arg4[%select_n3A_95, %dma_start3A_230, %select_n3A_135, %dma_start3A_231, %dma_start3A_232] : memref<200x8x32x8x128xf32, #tpu.memory_space<hbm>> -> memref<1x8x2x8x128xf32, #tpu.memory_space<hbm>>
        %dma_start3A_234 = tpu.memref_squeeze %dma_start3A_233 : memref<1x8x2x8x128xf32, #tpu.memory_space<hbm>> -> memref<8x2x8x128xf32, #tpu.memory_space<hbm>>
        %dma_start3A_235 = arith.constant 0 : i32
        %dma_start3A_236 = arith.constant 0 : i32
        %dma_start3A_237 = arith.constant 0 : i32
        %dma_start3A_238 = arith.constant 0 : i32
        %dma_start3A_239 = tpu.memref_slice %arg9[%dma_start3A_235, %dma_start3A_236, %dma_start3A_237, %dma_start3A_238] : memref<8x2x8x129xf32, #tpu.memory_space<vmem>> -> memref<8x2x8x128xf32, #tpu.memory_space<vmem>>
        tpu.enqueue_dma source(%dma_start3A_239 : memref<8x2x8x128xf32, #tpu.memory_space<vmem>>) target(%dma_start3A_234 : memref<8x2x8x128xf32, #tpu.memory_space<hbm>>) target_semaphore(%run_scoped3A : memref<!tpu.dma_semaphore, #tpu.memory_space<semaphore_mem>>)
        %dma_wait3A_240 = arith.constant 0 : i32
        %dma_wait3A_241 = arith.constant 0 : i32
        %dma_wait3A_242 = arith.constant 0 : i32
        %dma_wait3A_243 = arith.constant 0 : i32
        %dma_wait3A_244 = tpu.memref_slice %arg9[%dma_wait3A_240, %dma_wait3A_241, %dma_wait3A_242, %dma_wait3A_243] : memref<8x2x8x129xf32, #tpu.memory_space<vmem>> -> memref<8x2x8x128xf32, #tpu.memory_space<vmem>>
        %dma_wait3A_245 = arith.constant 0 : i32
        %dma_wait3A_246 = arith.constant 0 : i32
        %dma_wait3A_247 = arith.constant 0 : i32
        %dma_wait3A_248 = tpu.memref_slice %arg4[%select_n3A_95, %dma_wait3A_245, %select_n3A_135, %dma_wait3A_246, %dma_wait3A_247] : memref<200x8x32x8x128xf32, #tpu.memory_space<hbm>> -> memref<1x8x2x8x128xf32, #tpu.memory_space<hbm>>
        %dma_wait3A_249 = tpu.memref_squeeze %dma_wait3A_248 : memref<1x8x2x8x128xf32, #tpu.memory_space<hbm>> -> memref<8x2x8x128xf32, #tpu.memory_space<hbm>>
        %dma_wait3A_250 = arith.constant 0 : i32
        %dma_wait3A_251 = arith.constant 0 : i32
        %dma_wait3A_252 = arith.constant 0 : i32
        %dma_wait3A_253 = tpu.memref_slice %arg4[%select_n3A_95, %dma_wait3A_250, %select_n3A_135, %dma_wait3A_251, %dma_wait3A_252] : memref<200x8x32x8x128xf32, #tpu.memory_space<hbm>> -> memref<1x8x2x8x128xf32, #tpu.memory_space<hbm>>
        %dma_wait3A_254 = tpu.memref_squeeze %dma_wait3A_253 : memref<1x8x2x8x128xf32, #tpu.memory_space<hbm>> -> memref<8x2x8x128xf32, #tpu.memory_space<hbm>>
        %dma_wait3A_255 = arith.constant 0 : i32
        %dma_wait3A_256 = arith.constant 0 : i32
        %dma_wait3A_257 = arith.constant 0 : i32
        %dma_wait3A_258 = arith.constant 0 : i32
        %dma_wait3A_259 = tpu.memref_slice %arg9[%dma_wait3A_255, %dma_wait3A_256, %dma_wait3A_257, %dma_wait3A_258] : memref<8x2x8x129xf32, #tpu.memory_space<vmem>> -> memref<8x2x8x128xf32, #tpu.memory_space<vmem>>
        tpu.wait_dma2 semaphore(%run_scoped3A : memref<!tpu.dma_semaphore, #tpu.memory_space<semaphore_mem>>) src(%dma_wait3A_259 : memref<8x2x8x128xf32, #tpu.memory_space<vmem>>) dst(%dma_wait3A_254 : memref<8x2x8x128xf32, #tpu.memory_space<hbm>>)
        tpu.yield
      }) : () -> ()
      %mul3A_136 = arith.constant 2 : i32
      %mul3A_137 = arith.muli %mul3A_136, %scan3A_55 : i32
      %add3A_138 = arith.constant 1 : i32
      %add3A_139 = arith.addi %mul3A_137, %add3A_138 : i32
      %add3A_140 = arith.constant 1 : i32
      %add3A_141 = arith.addi %add3A_139, %add3A_140 : i32
      %lt3A_142 = arith.constant 100 : i32
      %lt3A_143 = arith.cmpi slt, %add3A_141, %lt3A_142 : i32
      %convert_element_type3A_144 = arith.extui %lt3A_143 : i1 to i32
      %cond3A_145 = arith.constant 0 : i32
      %cond3A_146 = arith.cmpi ne, %convert_element_type3A_144, %cond3A_145 : i32
      scf.if %cond3A_146 {
        %add3A_220 = arith.constant 1 : i32
        %add3A_221 = arith.addi %add3A_139, %add3A_220 : i32
        %mul3A_222 = arith.constant 256 : i32
        %mul3A_223 = arith.muli %add3A_221, %mul3A_222 : i32
        %add3A_224 = arith.addi %mul3A_2, %mul3A_223 : i32
        "tpu.region"() ({
          %run_scoped3A = tpu.sem_alloc : memref<!tpu.dma_semaphore, #tpu.memory_space<semaphore_mem>>
          %dma_start3A_228 = tpu.memref_slice %arg2[%add3A_224] : memref<819200xi32, #tpu.memory_space<hbm>> -> memref<256xi32, #tpu.memory_space<hbm>>
          %dma_start3A_229 = tpu.memref_slice %arg2[%add3A_224] : memref<819200xi32, #tpu.memory_space<hbm>> -> memref<256xi32, #tpu.memory_space<hbm>>
          tpu.enqueue_dma source(%dma_start3A_229 : memref<256xi32, #tpu.memory_space<hbm>>) target(%arg5 : memref<256xi32, #tpu.memory_space<vmem>>) target_semaphore(%run_scoped3A : memref<!tpu.dma_semaphore, #tpu.memory_space<semaphore_mem>>)
          %dma_wait3A_230 = tpu.memref_slice %arg2[%add3A_224] : memref<819200xi32, #tpu.memory_space<hbm>> -> memref<256xi32, #tpu.memory_space<hbm>>
          %dma_wait3A_231 = tpu.memref_slice %arg2[%add3A_224] : memref<819200xi32, #tpu.memory_space<hbm>> -> memref<256xi32, #tpu.memory_space<hbm>>
          tpu.wait_dma2 semaphore(%run_scoped3A : memref<!tpu.dma_semaphore, #tpu.memory_space<semaphore_mem>>) src(%dma_wait3A_231 : memref<256xi32, #tpu.memory_space<hbm>>) dst(%arg5 : memref<256xi32, #tpu.memory_space<vmem>>)
          tpu.yield
        }) : () -> ()
        %dma_start3A_225 = arith.constant 0 : i32
        %dma_start3A_226 = arith.constant 0 : i32
        %dma_start3A_227 = tpu.memref_slice %arg3[%dma_start3A_225, %dma_start3A_226] : memref<1000000x64xf32, #tpu.memory_space<hbm>> -> memref<1000000x64xf32, #tpu.memory_space<hbm>>
        tpu.enqueue_indirect_dma source(%dma_start3A_227 : memref<1000000x64xf32, #tpu.memory_space<hbm>>) target(%arg7 : memref<256x64xf32, #tpu.memory_space<vmem>>) offsets(%arg5 : memref<256xi32, #tpu.memory_space<vmem>>) semaphore(%arg11 : memref<!tpu.dma_semaphore, #tpu.memory_space<semaphore_mem>>)
      } else {
      }
      %dma_wait3A_147 = arith.constant 0 : i32
      %dma_wait3A_148 = arith.constant 0 : i32
      %dma_wait3A_149 = tpu.memref_slice %arg3[%dma_wait3A_147, %dma_wait3A_148] : memref<1000000x64xf32, #tpu.memory_space<hbm>> -> memref<1000000x64xf32, #tpu.memory_space<hbm>>
      tpu.wait_indirect_dma semaphore(%arg12 : memref<!tpu.dma_semaphore, #tpu.memory_space<semaphore_mem>>) src(%dma_wait3A_149 : memref<1000000x64xf32, #tpu.memory_space<hbm>>) dst(%arg8 : memref<256x64xf32, #tpu.memory_space<vmem>>)
      %parallel_loop3A_150 = arith.constant 0 : i32
      %parallel_loop3A_151 = arith.constant 256 : i32
      %parallel_loop3A_152 = arith.constant 1 : i32
      scf.for %parallel_loop3A_220 = %parallel_loop3A_150 to %parallel_loop3A_151 step %parallel_loop3A_152  : i32 {
        %parallel_loop3A_221 = arith.constant 128 : i32
        %parallel_loop3A_222 = arith.divsi %parallel_loop3A_220, %parallel_loop3A_221 : i32
        %parallel_loop3A_223 = arith.constant 0 : i32
        %parallel_loop3A_224 = arith.cmpi sgt, %parallel_loop3A_220, %parallel_loop3A_223 : i32
        %parallel_loop3A_225 = arith.extui %parallel_loop3A_224 : i1 to i32
        %parallel_loop3A_226 = arith.constant 0 : i32
        %parallel_loop3A_227 = arith.cmpi slt, %parallel_loop3A_220, %parallel_loop3A_226 : i32
        %parallel_loop3A_228 = arith.extui %parallel_loop3A_227 : i1 to i32
        %parallel_loop3A_229 = arith.subi %parallel_loop3A_225, %parallel_loop3A_228 : i32
        %parallel_loop3A_230 = arith.constant 0 : i32
        %parallel_loop3A_231 = arith.cmpi sgt, %parallel_loop3A_221, %parallel_loop3A_230 : i32
        %parallel_loop3A_232 = arith.extui %parallel_loop3A_231 : i1 to i32
        %parallel_loop3A_233 = arith.constant 0 : i32
        %parallel_loop3A_234 = arith.cmpi slt, %parallel_loop3A_221, %parallel_loop3A_233 : i32
        %parallel_loop3A_235 = arith.extui %parallel_loop3A_234 : i1 to i32
        %parallel_loop3A_236 = arith.subi %parallel_loop3A_232, %parallel_loop3A_235 : i32
        %parallel_loop3A_237 = arith.cmpi ne, %parallel_loop3A_229, %parallel_loop3A_236 : i32
        %parallel_loop3A_238 = arith.remsi %parallel_loop3A_220, %parallel_loop3A_221 : i32
        %parallel_loop3A_239 = arith.constant 0 : i32
        %parallel_loop3A_240 = arith.cmpi ne, %parallel_loop3A_238, %parallel_loop3A_239 : i32
        %parallel_loop3A_241 = arith.andi %parallel_loop3A_237, %parallel_loop3A_240 : i1
        %parallel_loop3A_242 = arith.constant 1 : i32
        %parallel_loop3A_243 = arith.subi %parallel_loop3A_222, %parallel_loop3A_242 : i32
        %parallel_loop3A_244 = arith.select %parallel_loop3A_241, %parallel_loop3A_243, %parallel_loop3A_222 : i32
        %parallel_loop3A_245 = arith.constant 0 : i32
        %parallel_loop3A_246 = vector.broadcast %parallel_loop3A_245 : i32 to vector<16xi32>
        %parallel_loop3A_247 = vector.broadcast %parallel_loop3A_244 : i32 to vector<16xi32>
        %parallel_loop3A_248 = arith.addi %parallel_loop3A_246, %parallel_loop3A_247 : vector<16xi32>
        %parallel_loop3A_249 = arith.constant 0 : i32
        %parallel_loop3A_250 = vector.broadcast %parallel_loop3A_249 : i32 to vector<16xi32>
        %parallel_loop3A_251 = arith.constant 128 : i32
        %parallel_loop3A_252 = arith.constant 0 : i32
        %parallel_loop3A_253 = arith.cmpi eq, %parallel_loop3A_251, %parallel_loop3A_252 : i32
        %parallel_loop3A_254 = arith.constant 1 : i32
        %parallel_loop3A_255 = arith.select %parallel_loop3A_253, %parallel_loop3A_254, %parallel_loop3A_251 : i32
        %parallel_loop3A_256 = arith.remsi %parallel_loop3A_220, %parallel_loop3A_255 : i32
        %parallel_loop3A_257 = arith.constant 0 : i32
        %parallel_loop3A_258 = arith.cmpi ne, %parallel_loop3A_256, %parallel_loop3A_257 : i32
        %parallel_loop3A_259 = arith.constant 0 : i32
        %parallel_loop3A_260 = arith.cmpi slt, %parallel_loop3A_256, %parallel_loop3A_259 : i32
        %parallel_loop3A_261 = arith.constant 0 : i32
        %parallel_loop3A_262 = arith.cmpi slt, %parallel_loop3A_255, %parallel_loop3A_261 : i32
        %parallel_loop3A_263 = arith.xori %parallel_loop3A_260, %parallel_loop3A_262 : i1
        %parallel_loop3A_264 = arith.andi %parallel_loop3A_263, %parallel_loop3A_258 : i1
        %parallel_loop3A_265 = arith.addi %parallel_loop3A_256, %parallel_loop3A_255 : i32
        %parallel_loop3A_266 = arith.select %parallel_loop3A_264, %parallel_loop3A_265, %parallel_loop3A_256 : i32
        %parallel_loop3A_267 = vector.broadcast %parallel_loop3A_266 : i32 to vector<16xi32>
        %parallel_loop3A_268 = arith.addi %parallel_loop3A_250, %parallel_loop3A_267 : vector<16xi32>
        %parallel_loop3A_269 = arith.index_cast %parallel_loop3A_220 : i32 to index
        %parallel_loop3A_270 = arith.constant 0 : index
        %parallel_loop3A_271 = tpu.vector_load %arg8[%parallel_loop3A_269, %parallel_loop3A_270] {strides = array<i32>} : memref<256x64xf32, #tpu.memory_space<vmem>>, vector<16xf32>,
        %parallel_loop3A_272 = arith.constant 0 : i32
        %parallel_loop3A_273 = vector.broadcast %parallel_loop3A_272 : i32 to vector<16xi32>
        %parallel_loop3A_274 = arith.addi %select_n3A, %parallel_loop3A_273 : vector<16xi32>
        %parallel_loop3A_275 = arith.constant 8.000000e+00 : f32
        %parallel_loop3A_276 = vector.broadcast %parallel_loop3A_275 : f32 to vector<16xf32>
        %parallel_loop3A_277 = arith.mulf %parallel_loop3A_271, %parallel_loop3A_276 : vector<16xf32>
        tpu.vector_store_idx %arg10[%parallel_loop3A_274, %parallel_loop3A_248, %select_n3A_45, %parallel_loop3A_268], %parallel_loop3A_277 : memref<8x2x8x129xf32, #tpu.memory_space<vmem>>[vector<16xi32>, vector<16xi32>, vector<16xi32>, vector<16xi32>], vector<16xf32>,
        %parallel_loop3A_278 = arith.index_cast %parallel_loop3A_220 : i32 to index
        %parallel_loop3A_279 = arith.constant 16 : index
        %parallel_loop3A_280 = tpu.vector_load %arg8[%parallel_loop3A_278, %parallel_loop3A_279] {strides = array<i32>} : memref<256x64xf32, #tpu.memory_space<vmem>>, vector<16xf32>,
        %parallel_loop3A_281 = arith.constant 2 : i32
        %parallel_loop3A_282 = vector.broadcast %parallel_loop3A_281 : i32 to vector<16xi32>
        %parallel_loop3A_283 = arith.addi %select_n3A, %parallel_loop3A_282 : vector<16xi32>
        %parallel_loop3A_284 = arith.constant 8.000000e+00 : f32
        %parallel_loop3A_285 = vector.broadcast %parallel_loop3A_284 : f32 to vector<16xf32>
        %parallel_loop3A_286 = arith.mulf %parallel_loop3A_280, %parallel_loop3A_285 : vector<16xf32>
        tpu.vector_store_idx %arg10[%parallel_loop3A_283, %parallel_loop3A_248, %select_n3A_45, %parallel_loop3A_268], %parallel_loop3A_286 : memref<8x2x8x129xf32, #tpu.memory_space<vmem>>[vector<16xi32>, vector<16xi32>, vector<16xi32>, vector<16xi32>], vector<16xf32>,
        %parallel_loop3A_287 = arith.index_cast %parallel_loop3A_220 : i32 to index
        %parallel_loop3A_288 = arith.constant 32 : index
        %parallel_loop3A_289 = tpu.vector_load %arg8[%parallel_loop3A_287, %parallel_loop3A_288] {strides = array<i32>} : memref<256x64xf32, #tpu.memory_space<vmem>>, vector<16xf32>,
        %parallel_loop3A_290 = arith.constant 4 : i32
        %parallel_loop3A_291 = vector.broadcast %parallel_loop3A_290 : i32 to vector<16xi32>
        %parallel_loop3A_292 = arith.addi %select_n3A, %parallel_loop3A_291 : vector<16xi32>
        %parallel_loop3A_293 = arith.constant 8.000000e+00 : f32
        %parallel_loop3A_294 = vector.broadcast %parallel_loop3A_293 : f32 to vector<16xf32>
        %parallel_loop3A_295 = arith.mulf %parallel_loop3A_289, %parallel_loop3A_294 : vector<16xf32>
        tpu.vector_store_idx %arg10[%parallel_loop3A_292, %parallel_loop3A_248, %select_n3A_45, %parallel_loop3A_268], %parallel_loop3A_295 : memref<8x2x8x129xf32, #tpu.memory_space<vmem>>[vector<16xi32>, vector<16xi32>, vector<16xi32>, vector<16xi32>], vector<16xf32>,
        %parallel_loop3A_296 = arith.index_cast %parallel_loop3A_220 : i32 to index
        %parallel_loop3A_297 = arith.constant 48 : index
        %parallel_loop3A_298 = tpu.vector_load %arg8[%parallel_loop3A_296, %parallel_loop3A_297] {strides = array<i32>} : memref<256x64xf32, #tpu.memory_space<vmem>>, vector<16xf32>,
        %parallel_loop3A_299 = arith.constant 6 : i32
        %parallel_loop3A_300 = vector.broadcast %parallel_loop3A_299 : i32 to vector<16xi32>
        %parallel_loop3A_301 = arith.addi %select_n3A, %parallel_loop3A_300 : vector<16xi32>
        %parallel_loop3A_302 = arith.constant 8.000000e+00 : f32
        %parallel_loop3A_303 = vector.broadcast %parallel_loop3A_302 : f32 to vector<16xf32>
        %parallel_loop3A_304 = arith.mulf %parallel_loop3A_298, %parallel_loop3A_303 : vector<16xf32>
        tpu.vector_store_idx %arg10[%parallel_loop3A_301, %parallel_loop3A_248, %select_n3A_45, %parallel_loop3A_268], %parallel_loop3A_304 : memref<8x2x8x129xf32, #tpu.memory_space<vmem>>[vector<16xi32>, vector<16xi32>, vector<16xi32>, vector<16xi32>], vector<16xf32>,
      } {sc.loop_unroll_factor = 8 : i64, sc.parallel_access}
      %mul3A_153 = arith.constant 256 : i32
      %mul3A_154 = arith.muli %add3A_139, %mul3A_153 : i32
      %add3A_155 = arith.addi %mul3A_2, %mul3A_154 : i32
      %jit3A_156 = arith.constant 4096 : i32
      %div3A_157 = arith.divsi %add3A_155, %jit3A_156 : i32
      %sign3A_158 = arith.constant 0 : i32
      %sign3A_159 = arith.cmpi sgt, %add3A_155, %sign3A_158 : i32
      %sign3A_160 = arith.extui %sign3A_159 : i1 to i32
      %sign3A_161 = arith.constant 0 : i32
      %sign3A_162 = arith.cmpi slt, %add3A_155, %sign3A_161 : i32
      %sign3A_163 = arith.extui %sign3A_162 : i1 to i32
      %sign3A_164 = arith.subi %sign3A_160, %sign3A_163 : i32
      %sign3A_165 = arith.constant 0 : i32
      %sign3A_166 = arith.cmpi sgt, %jit3A_156, %sign3A_165 : i32
      %sign3A_167 = arith.extui %sign3A_166 : i1 to i32
      %sign3A_168 = arith.constant 0 : i32
      %sign3A_169 = arith.cmpi slt, %jit3A_156, %sign3A_168 : i32
      %sign3A_170 = arith.extui %sign3A_169 : i1 to i32
      %sign3A_171 = arith.subi %sign3A_167, %sign3A_170 : i32
      %ne3A_172 = arith.cmpi ne, %sign3A_164, %sign3A_171 : i32
      %rem3A_173 = arith.remsi %add3A_155, %jit3A_156 : i32
      %ne3A_174 = arith.constant 0 : i32
      %ne3A_175 = arith.cmpi ne, %rem3A_173, %ne3A_174 : i32
      %and3A_176 = arith.andi %ne3A_172, %ne3A_175 : i1
      %sub3A_177 = arith.constant 1 : i32
      %sub3A_178 = arith.subi %div3A_157, %sub3A_177 : i32
      %select_n3A_179 = arith.select %and3A_176, %sub3A_178, %div3A_157 : i32
      %jit3A_180 = arith.constant 4096 : i32
      %eq3A_181 = arith.constant 0 : i32
      %eq3A_182 = arith.cmpi eq, %jit3A_180, %eq3A_181 : i32
      %jit3A_183 = arith.constant 1 : i32
      %select_n3A_184 = arith.select %eq3A_182, %jit3A_183, %jit3A_180 : i32
      %rem3A_185 = arith.remsi %add3A_155, %select_n3A_184 : i32
      %ne3A_186 = arith.constant 0 : i32
      %ne3A_187 = arith.cmpi ne, %rem3A_185, %ne3A_186 : i32
      %lt3A_188 = arith.constant 0 : i32
      %lt3A_189 = arith.cmpi slt, %rem3A_185, %lt3A_188 : i32
      %lt3A_190 = arith.constant 0 : i32
      %lt3A_191 = arith.cmpi slt, %select_n3A_184, %lt3A_190 : i32
      %ne3A_192 = arith.xori %lt3A_189, %lt3A_191 : i1
      %and3A_193 = arith.andi %ne3A_192, %ne3A_187 : i1
      %add3A_194 = arith.addi %rem3A_185, %select_n3A_184 : i32
      %select_n3A_195 = arith.select %and3A_193, %add3A_194, %rem3A_185 : i32
      %jit3A_196 = arith.constant 128 : i32
      %div3A_197 = arith.divsi %select_n3A_195, %jit3A_196 : i32
      %sign3A_198 = arith.constant 0 : i32
      %sign3A_199 = arith.cmpi sgt, %select_n3A_195, %sign3A_198 : i32
      %sign3A_200 = arith.extui %sign3A_199 : i1 to i32
      %sign3A_201 = arith.constant 0 : i32
      %sign3A_202 = arith.cmpi slt, %select_n3A_195, %sign3A_201 : i32
      %sign3A_203 = arith.extui %sign3A_202 : i1 to i32
      %sign3A_204 = arith.subi %sign3A_200, %sign3A_203 : i32
      %sign3A_205 = arith.constant 0 : i32
      %sign3A_206 = arith.cmpi sgt, %jit3A_196, %sign3A_205 : i32
      %sign3A_207 = arith.extui %sign3A_206 : i1 to i32
      %sign3A_208 = arith.constant 0 : i32
      %sign3A_209 = arith.cmpi slt, %jit3A_196, %sign3A_208 : i32
      %sign3A_210 = arith.extui %sign3A_209 : i1 to i32
      %sign3A_211 = arith.subi %sign3A_207, %sign3A_210 : i32
      %ne3A_212 = arith.cmpi ne, %sign3A_204, %sign3A_211 : i32
      %rem3A_213 = arith.remsi %select_n3A_195, %jit3A_196 : i32
      %ne3A_214 = arith.constant 0 : i32
      %ne3A_215 = arith.cmpi ne, %rem3A_213, %ne3A_214 : i32
      %and3A_216 = arith.andi %ne3A_212, %ne3A_215 : i1
      %sub3A_217 = arith.constant 1 : i32
      %sub3A_218 = arith.subi %div3A_197, %sub3A_217 : i32
      %select_n3A_219 = arith.select %and3A_216, %sub3A_218, %div3A_197 : i32
      "tpu.region"() ({
        %run_scoped3A = tpu.sem_alloc : memref<!tpu.dma_semaphore, #tpu.memory_space<semaphore_mem>>
        %dma_start3A_220 = arith.constant 0 : i32
        %dma_start3A_221 = arith.constant 0 : i32
        %dma_start3A_222 = arith.constant 0 : i32
        %dma_start3A_223 = arith.constant 0 : i32
        %dma_start3A_224 = tpu.memref_slice %arg10[%dma_start3A_220, %dma_start3A_221, %dma_start3A_222, %dma_start3A_223] : memref<8x2x8x129xf32, #tpu.memory_space<vmem>> -> memref<8x2x8x128xf32, #tpu.memory_space<vmem>>
        %dma_start3A_225 = arith.constant 0 : i32
        %dma_start3A_226 = arith.constant 0 : i32
        %dma_start3A_227 = arith.constant 0 : i32
        %dma_start3A_228 = tpu.memref_slice %arg4[%select_n3A_179, %dma_start3A_225, %select_n3A_219, %dma_start3A_226, %dma_start3A_227] : memref<200x8x32x8x128xf32, #tpu.memory_space<hbm>> -> memref<1x8x2x8x128xf32, #tpu.memory_space<hbm>>
        %dma_start3A_229 = tpu.memref_squeeze %dma_start3A_228 : memref<1x8x2x8x128xf32, #tpu.memory_space<hbm>> -> memref<8x2x8x128xf32, #tpu.memory_space<hbm>>
        %dma_start3A_230 = arith.constant 0 : i32
        %dma_start3A_231 = arith.constant 0 : i32
        %dma_start3A_232 = arith.constant 0 : i32
        %dma_start3A_233 = tpu.memref_slice %arg4[%select_n3A_179, %dma_start3A_230, %select_n3A_219, %dma_start3A_231, %dma_start3A_232] : memref<200x8x32x8x128xf32, #tpu.memory_space<hbm>> -> memref<1x8x2x8x128xf32, #tpu.memory_space<hbm>>
        %dma_start3A_234 = tpu.memref_squeeze %dma_start3A_233 : memref<1x8x2x8x128xf32, #tpu.memory_space<hbm>> -> memref<8x2x8x128xf32, #tpu.memory_space<hbm>>
        %dma_start3A_235 = arith.constant 0 : i32
        %dma_start3A_236 = arith.constant 0 : i32
        %dma_start3A_237 = arith.constant 0 : i32
        %dma_start3A_238 = arith.constant 0 : i32
        %dma_start3A_239 = tpu.memref_slice %arg10[%dma_start3A_235, %dma_start3A_236, %dma_start3A_237, %dma_start3A_238] : memref<8x2x8x129xf32, #tpu.memory_space<vmem>> -> memref<8x2x8x128xf32, #tpu.memory_space<vmem>>
        tpu.enqueue_dma source(%dma_start3A_239 : memref<8x2x8x128xf32, #tpu.memory_space<vmem>>) target(%dma_start3A_234 : memref<8x2x8x128xf32, #tpu.memory_space<hbm>>) target_semaphore(%run_scoped3A : memref<!tpu.dma_semaphore, #tpu.memory_space<semaphore_mem>>)
        %dma_wait3A_240 = arith.constant 0 : i32
        %dma_wait3A_241 = arith.constant 0 : i32
        %dma_wait3A_242 = arith.constant 0 : i32
        %dma_wait3A_243 = arith.constant 0 : i32
        %dma_wait3A_244 = tpu.memref_slice %arg10[%dma_wait3A_240, %dma_wait3A_241, %dma_wait3A_242, %dma_wait3A_243] : memref<8x2x8x129xf32, #tpu.memory_space<vmem>> -> memref<8x2x8x128xf32, #tpu.memory_space<vmem>>
        %dma_wait3A_245 = arith.constant 0 : i32
        %dma_wait3A_246 = arith.constant 0 : i32
        %dma_wait3A_247 = arith.constant 0 : i32
        %dma_wait3A_248 = tpu.memref_slice %arg4[%select_n3A_179, %dma_wait3A_245, %select_n3A_219, %dma_wait3A_246, %dma_wait3A_247] : memref<200x8x32x8x128xf32, #tpu.memory_space<hbm>> -> memref<1x8x2x8x128xf32, #tpu.memory_space<hbm>>
        %dma_wait3A_249 = tpu.memref_squeeze %dma_wait3A_248 : memref<1x8x2x8x128xf32, #tpu.memory_space<hbm>> -> memref<8x2x8x128xf32, #tpu.memory_space<hbm>>
        %dma_wait3A_250 = arith.constant 0 : i32
        %dma_wait3A_251 = arith.constant 0 : i32
        %dma_wait3A_252 = arith.constant 0 : i32
        %dma_wait3A_253 = tpu.memref_slice %arg4[%select_n3A_179, %dma_wait3A_250, %select_n3A_219, %dma_wait3A_251, %dma_wait3A_252] : memref<200x8x32x8x128xf32, #tpu.memory_space<hbm>> -> memref<1x8x2x8x128xf32, #tpu.memory_space<hbm>>
        %dma_wait3A_254 = tpu.memref_squeeze %dma_wait3A_253 : memref<1x8x2x8x128xf32, #tpu.memory_space<hbm>> -> memref<8x2x8x128xf32, #tpu.memory_space<hbm>>
        %dma_wait3A_255 = arith.constant 0 : i32
        %dma_wait3A_256 = arith.constant 0 : i32
        %dma_wait3A_257 = arith.constant 0 : i32
        %dma_wait3A_258 = arith.constant 0 : i32
        %dma_wait3A_259 = tpu.memref_slice %arg10[%dma_wait3A_255, %dma_wait3A_256, %dma_wait3A_257, %dma_wait3A_258] : memref<8x2x8x129xf32, #tpu.memory_space<vmem>> -> memref<8x2x8x128xf32, #tpu.memory_space<vmem>>
        tpu.wait_dma2 semaphore(%run_scoped3A : memref<!tpu.dma_semaphore, #tpu.memory_space<semaphore_mem>>) src(%dma_wait3A_259 : memref<8x2x8x128xf32, #tpu.memory_space<vmem>>) dst(%dma_wait3A_254 : memref<8x2x8x128xf32, #tpu.memory_space<hbm>>)
        tpu.yield
      }) : () -> ()
    }
    %scan3A_54 = arith.constant 50 : i32
    return
  }
}

</mosaic_0001>

<sc_bundles>
// kernel: kernel.3.cloned.1.call-start
scs
__scs_entry_jumppad:
0x0: {  	(pc) =	sbr.rel $0x88, $3  }
0x1: {  	(tag) =	ssettag $0x0;
	lr =	simm.s32 $0x1  }
0x2: {  	[smem:$0x3F9F] =	sst lr;
	_ =	strace $0xD0000000  }
0x3: {  	_ = 	snop  }
0x4: {  	_ = 	snop  }
0x5: {  	_ = 	snop  }
0x6: {  	_ = 	snop  }
0x7: {  	_ = 	snop  }
__scs_overlays_trampoline_lowered:
0x8: {  	[smem:$0x3FAE] =	sst s0  }
0x9: {  	[smem:$0x3FAF] =	sst s1  }
0xa: {  	[smem:$0x3FB0] =	sst s2  }
0xb: {  	[smem:$0x3FB1] =	sst s3  }
0xc: {  	[smem:$0x3FB2] =	sst s4  }
0xd: {  	[smem:$0x3FB3] =	sst s5  }
0xe: {  	[smem:$0x3FB4] =	sst s6  }
0xf: {  	[smem:$0x3FB5] =	sst s7  }
0x10: {  	[smem:$0x3FB6] =	sst s8  }
0x11: {  	[smem:$0x3FB7] =	sst s9;
	s0 =	simm.s32 @!p0 $0x0  }
0x12: {  	s1 =	sld [smem:$0x3F9D];
	s0 =	simm.s32 @p0 $0x1  }
0x13: {  	[smem:$0x3FB8] =	sst s0;
	s0 =	simm.s32 @!p1 $0x0  }
0x14: {  	s2 =	sld [smem:$0x3F9C];
	s0 =	simm.s32 @p1 $0x1  }
0x15: {  	[smem:$0x3FB9] =	sst s0;
	s0 =	simm.s32 @!p2 $0x0  }
0x16: {  	s3 =	sld [smem:$0x3FDB];
	s0 =	simm.s32 @p2 $0x1  }
0x17: {  	s4 =	simm.s32 $0x1BF5;
	[smem:$0x3FBB] =	sst s0  }
0x18: {  	s0 =	sld [smem:$0x3F9E];
	_ =	swait.ge [sflag:s4], $0x0  }
0x19: {  	s7 =	sld [smem:$0x3F9F]  }
0x1a: {  	s8 =	sadd.s32 $0xFFFFE003, lr  }
0x1b: {  	s9 =	sadd.s32 $0xFFFFFEF7, lr;
	s5 =	simm.s32 $0xFFFFFFFF;
	p2 =	slt.u32 s8, $0xFFFFF086  }
0x1c: {  	p1 =	slt.u32 s9, $0xF7A;
	s5 =	simm.s32 @!p2 $0x0  }
0x1d: {  	s5 =	simm.s32 @p1 $0x1;
	p0 =	seq.s32 s7, s2  }
0x1e: {  	s7 =	smul.u32 @!p0 $0xF7A, s2;
	p2 =	seq.s32 @!p0 s5, $0x0  }
0x1f: {  	s9 =	smul.u32 $0xF7A, s1;
	s8 =	simm.s32 @!p0 $0x1BF5;
	p2 =	por !p2, p0  }
0x20: {  	[sflag:s8] =	ssyncset.s32 @!p0 $0xFFFFF086;
	s6 =	sadd.s32 @!p0 s3, s7;
	s7 =	simm.s32 @!p0 $0x108  }
0x21: {  	s3 =	sadd.s32 s3, s9;
	s6 =	sadd.s32 @!p0 $0x88, s6;
	s7 =	simm.s32 @p2 $0x1082  }
0x22: {  	[simem:s7], [sflag:s8] =	dma.local @!p0 [hbm:s6], $0xF7A  }
0x23: {  	s9 =	sor.u32 $0xD0000000, s2;
	s6 =	simm.s32 $0x108;
	_ =	swait.ge @!p0 [sflag:s8], $0x0  }
0x24: {  	s3 =	sadd.s32 $0x88, s3;
	s6 =	simm.s32 @!p1 $0x1082;
	[sflag:s4] =	ssyncset.s32 $0xFFFFF086  }
0x25: {  	[simem:s6], [sflag:s4] =	dma.local [hbm:s3], $0xF7A  }
0x26: {  	[smem:$0x3F9F] =	sst s1;
	(tag) =	ssettag s2;
	_ =	strace s9  }
0x27: {  	s1 =	sld [smem:$0x3FAF]  }
0x28: {  	s2 =	sld [smem:$0x3FB0]  }
0x29: {  	s4 =	sld [smem:$0x3FB2]  }
0x2a: {  	p0 =	seq.s32 s5, $0x0;
	s5 =	sld [smem:$0x3FB3]  }
0x2b: {  	s6 =	sld [smem:$0x3FB4]  }
0x2c: {  	s7 =	sld [smem:$0x3FB5]  }
0x2d: {  	s3 =	simm.s32 $0x108;
	s8 =	sld [smem:$0x3FB6]  }
0x2e: {  	s3 =	simm.s32 @!p0 $0x1082;
	s9 =	sld [smem:$0x3FB7]  }
0x2f: {  	lr =	sadd.s32 s0, s3;
	s0 =	sld [smem:$0x3FAE]  }
0x30: {  	s3 =	sld [smem:$0x3FB1]  }
0x31: {  	[smem:$0x3FBA] =	sst s10  }
0x32: {  	s10 =	sld [smem:$0x3FB8];
	_ =	sdelay $0x3  }
0x33: {  	p0 =	seq.s32 s10, $0x1;
	s10 =	sld [smem:$0x3FBA];
	_ =	sdelay $0x3  }
0x34: {  	[smem:$0x3FBA] =	sst s10  }
0x35: {  	s10 =	sld [smem:$0x3FB9];
	_ =	sdelay $0x3  }
0x36: {  	p1 =	seq.s32 s10, $0x1;
	s10 =	sld [smem:$0x3FBA];
	_ =	sdelay $0x3  }
0x37: {  	[smem:$0x3FBA] =	sst s10  }
0x38: {  	s10 =	sld [smem:$0x3FBB]  }
0x39: {  	_ = 	snop;
	(pc) =	sbr.ind lr, $3  }
0x3a: {  	_ = 	snop  }
0x3b: {  	_ = 	snop  }
0x3c: {  	p2 =	seq.s32 s10, $0x1;
	s10 =	sld [smem:$0x3FBA]  }
0x3d: {  	_ =	shalt  }
0x3e: {  	_ =	shalt  }
0x3f: {  	_ =	shalt  }
0x40: {  	_ =	shalt  }
0x41: {  	_ =	shalt  }
0x42: {  	_ =	shalt  }
0x43: {  	_ =	shalt  }
0x44: {  	_ =	shalt  }
0x45: {  	_ =	shalt  }
0x46: {  	_ =	shalt  }
0x47: {  	_ =	shalt  }
0x48: {  	_ =	shalt  }
0x49: {  	_ =	shalt  }
0x4a: {  	_ =	shalt  }
0x4b: {  	_ =	shalt  }
0x4c: {  	_ =	shalt  }
0x4d: {  	_ =	shalt  }
0x4e: {  	_ =	shalt  }
0x4f: {  	_ =	shalt  }
0x50: {  	_ =	shalt  }
0x51: {  	_ =	shalt  }
0x52: {  	_ =	shalt  }
0x53: {  	_ =	shalt  }
0x54: {  	_ =	shalt  }
0x55: {  	_ =	shalt  }
0x56: {  	_ =	shalt  }
0x57: {  	_ =	shalt  }
0x58: {  	_ =	shalt  }
0x59: {  	_ =	shalt  }
0x5a: {  	_ =	shalt  }
0x5b: {  	_ =	shalt  }
0x5c: {  	_ =	shalt  }
0x5d: {  	_ =	shalt  }
0x5e: {  	_ =	shalt  }
0x5f: {  	_ =	shalt  }
0x60: {  	_ =	shalt  }
0x61: {  	_ =	shalt  }
0x62: {  	_ =	shalt  }
0x63: {  	_ =	shalt  }
0x64: {  	_ =	shalt  }
0x65: {  	_ =	shalt  }
0x66: {  	_ =	shalt  }
0x67: {  	_ =	shalt  }
0x68: {  	_ =	shalt  }
0x69: {  	_ =	shalt  }
0x6a: {  	_ =	shalt  }
0x6b: {  	_ =	shalt  }
0x6c: {  	_ =	shalt  }
0x6d: {  	_ =	shalt  }
0x6e: {  	_ =	shalt  }
0x6f: {  	_ =	shalt  }
0x70: {  	_ =	shalt  }
0x71: {  	_ =	shalt  }
0x72: {  	_ =	shalt  }
0x73: {  	_ =	shalt  }
0x74: {  	_ =	shalt  }
0x75: {  	_ =	shalt  }
0x76: {  	_ =	shalt  }
0x77: {  	_ =	shalt  }
0x78: {  	_ =	shalt  }
0x79: {  	_ =	shalt  }
0x7a: {  	_ =	shalt  }
0x7b: {  	_ =	shalt  }
0x7c: {  	_ =	shalt  }
0x7d: {  	_ =	shalt  }
0x7e: {  	_ =	shalt  }
0x7f: {  	_ =	shalt  }
0x80: {  	_ =	shalt  }
0x81: {  	_ =	shalt  }
0x82: {  	_ =	shalt  }
0x83: {  	_ =	shalt  }
0x84: {  	_ =	shalt  }
0x85: {  	_ =	shalt  }
0x86: {  	_ =	shalt  }
0x87: {  	_ =	shalt  }
.Lfunc_end0:
.L_simem_size_0:
called_computation_lowered:
.L_overlay_start_0:
0x88: {  	s2 =	sld [smem:$0x3FD9]  }
0x89: {  	s3 =	sld [smem:$0x3FFE];
	_ =	sdelay $0x1  }
0x8a: {  	s1 =	srdreg.scid  }
0x8b: {  	s0 =	sand.u32 $0x1, s1  }
0x8c: {  	s17 =	sshll.u32 s0, $0xA;
	s2 =	sadd.s32 s3, s2  }
0x8d: {  	s2 =	sadd.s32 s2, s17  }
0x8e: {  	[smem:$0x3FC6] =	sst s2  }
0x8f: {  	_ = 	snop  }
0x90: {  	s2 =	sld [smem:$0x3FD0];
	(tm) =	ssettm $0x1  }
0x91: {  	s18 =	sld [smem:$0x3FFB];
	_ =	sdelay $0x3  }
0x92: {  	_ =	strace s18  }
0x93: {  	s3 =	sld [smem:$0x3FFC];
	_ =	sdelay $0x3  }
0x94: {  	_ =	strace s3  }
0x95: {  	s3 =	sld [smem:$0x3FFD];
	_ =	sdelay $0x3  }
0x96: {  	_ =	strace s3  }
0x97: {  	_ =	strace $0x8FFFFFFF  }
0x98: {  	s19 =	sld [smem:$0x3FDB];
	_ =	sdelay $0x1  }
0x99: {  	s4 =	simm.s32 $_scs_section_size  }
0x9a: {  	s5 =	simm.s32 $_size__tile_overlayer_lowered;
	s6 =	simm.s32 $_tile_overlayer_lowered  }
0x9b: {  	s22 =	simm.s32 $0x1BFF;
	s21 =	sshll.u32 s6, $0x1;
	s3 =	sadd.s32 s4, s19  }
0x9c: {  	s7 =	simm.s32 $0x0;
	s20 =	sshll.u32 s5, $0x1;
	s5 =	sadd.s32 s21, s3  }
0x9d: {  	[timem:s7], [sflag:s22] =	dma.local [hbm:s5], s20  }
0x9e: {  	_ =	swait.ge [sflag:s22], s20  }
0x9f: {  	s4 =	ssub.s32 $0x0, s20;
	[sflag:s22] =	ssyncset.done $0x0  }
0xa0: {  	[sflag:s22] =	ssyncadd.s32 s4;
	_ =	sdelay $0x1  }
0xa1: {  	s23 =	simm.s32 $0x1B8B  }
0xa2: {  	_ =	swait.ge [sflag:s23], $0x1  }
0xa3: {  	[sflag:s23] =	ssyncset.done $0x0  }
0xa4: {  	s25 =	simm.s32 $0x1B8E;
	s24 =	sld [smem:$0x3FFE];
	[sflag:s23] =	ssyncadd.s32 $0xFFFFFFFF  }
0xa5: {  	s26 =	simm.s32 $execute0_lowered;
	[smem:$0x3FD2] =	sst s25  }
0xa6: {  	s5 =	sshll.u32 s26, $0x1;
	_ =	strace $0x80000046;
	[dreg:$0x1] =	wrdreg $0xFFFFFFFF  }
0xa7: {  	s28 =	simm.s32 $_size_execute0_lowered;
	s3 =	sadd.s32 s3, s5;
	[dreg:$0x0] =	wrdreg $0x0  }
0xa8: {  	s5 =	sshll.u32 s28, $0x1;
	[dreg:$0x2] =	wrdreg s3  }
0xa9: {  	[dreg:$0x3] =	wrdreg s5  }
0xaa: {  	[dreg:$0x4] =	wrdreg $0xC0  }
0xab: {  	_ =	task [dreg:s7], $0x5FFFF  }
0xac: {  	[dreg:$0x1] =	wrdreg $0xFFFFFFFF  }
0xad: {  	[dreg:$0x0] =	wrdreg $0x60  }
0xae: {  	[dreg:$0x2] =	wrdreg s24  }
0xaf: {  	[dreg:$0x3] =	wrdreg s2  }
0xb0: {  	[dreg:$0x4] =	wrdreg $0x9  }
0xb1: {  	_ =	task.clear_ibuf [dreg:s7], $0x5FFFF;
	_ =	strace $0x90000046  }
0xb2: {  	s29 =	simm.s32 $0x9;
	_ =	strace $0x80000048  }
0xb3: {  	_ =	swait.ge [sflag:s29], $0x1  }
0xb4: {  	[sflag:s29] =	ssyncadd.s32 $0xFFFFFFFF  }
0xb5: {  	_ =	strace $0x90000048  }
0xb6: {  	_ =	sfence  }
0xb7: {  	s30 =	sld [smem:$0x0];
	_ =	sdelay $0x2  }
0xb8: {  	s31 =	sshll.u32 s1, $0xD;
	s1 =	sshrl.u32 s1, $0x2  }
0xb9: {  	s3 =	sand.u32 $0x4000, s31;
	s1 =	sadd.s32 s1, s30  }
0xba: {  	s0 =	sor.u32 s3, s0;
	s1 =	sshll.u32 s1, $0x11  }
0xbb: {  	s0 =	sor.u32 s1, s0  }
0xbc: {  	s0 =	sadd.s32 $0x8F2B, s0  }
0xbd: {  	[sflag:s0] =	ssyncadd.remote.s32 $0x1  }
0xbe: {  	_ =	sfence.sel $0xFFFF  }
0xbf: {  	[dreg:$0x0] =	wrdreg $0xFFFFFFFF;
	(pc) =	sbr.abs _section_cstart, $3  }
0xc0: {  	[dreg:$0x1] =	wrdreg $0xFFFFFFFF  }
0xc1: {  	_ =	task.clear_ibuf [dreg:s7], $0x2FFFF;
	_ =	strace $0x9FFFFFFF  }
0xc2: {  	(tm) =	ssettm $0x7FFFFFFF  }
0xc3: {  	_ =	shalt  }
tec
execute0_lowered:
.L_overlay_start_1:
0x0: {  	(tag) =	ssettag $0x1  }
0x1: {  	v0 =	vimm.s32 $0xC38;
	vm14 =	vcmask $0x300;
	vm13 =	vcmask $0x704  }
0x2: {  	vm12 =	vcmask $0xB08;
	vm11 =	vcmask $0xF0C;
	vm10 =	vcmask $0x1310  }
0x3: {  	vm9 =	vcmask $0x1714;
	vm8 =	vcmask $0x1B18;
	vm7 =	vcmask $0x1F1C  }
0x4: {  	vm6 =	vcmask $0x2320;
	vm5 =	vcmask $0x2724;
	vm4 =	vcmask $0x2B28  }
0x5: {  	vm3 =	vcmask $0x2F2C;
	vm2 =	vcmask $0x3330;
	vm1 =	vcmask $0x3734  }
0x6: {  	vm0 =	vcmask $0x3B38;
	v1 =	vimm.s32 $0x0;
	v2 =	vimm.s32 $0x1D38  }
0x7: {  	v3 =	vimm.s32 $0x2E38;
	v4 =	vimm.s32 $0x3F38;
	v0 =	vsel vm14, $0x0, v0  }
0x8: {  	v1 =	vsel vm14, $0x3, v1;
	v2 =	vsel vm14, $0x1100, v2;
	v3 =	vsel vm14, $0x2200, v3  }
0x9: {  	v4 =	vsel vm14, $0x3300, v4;
	v0 =	vsel vm13, $0x88, v0;
	v2 =	vsel vm13, $0x1188, v2  }
0xa: {  	v3 =	vsel vm13, $0x2288, v3;
	v4 =	vsel vm13, $0x3388, v4;
	v0 =	vsel vm12, $0x110, v0  }
0xb: {  	v2 =	vsel vm12, $0x1210, v2;
	v3 =	vsel vm12, $0x2310, v3;
	v4 =	vsel vm12, $0x3410, v4  }
0xc: {  	v0 =	vsel vm11, $0x198, v0;
	v2 =	vsel vm11, $0x1298, v2;
	v3 =	vsel vm11, $0x2398, v3  }
0xd: {  	v4 =	vsel vm11, $0x3498, v4;
	v0 =	vsel vm10, $0x220, v0;
	v2 =	vsel vm10, $0x1320, v2  }
0xe: {  	v3 =	vsel vm10, $0x2420, v3;
	v4 =	vsel vm10, $0x3520, v4;
	v0 =	vsel vm9, $0x2A8, v0  }
0xf: {  	v2 =	vsel vm9, $0x13A8, v2;
	v3 =	vsel vm9, $0x24A8, v3;
	v4 =	vsel vm9, $0x35A8, v4  }
0x10: {  	v0 =	vsel vm8, $0x330, v0;
	v2 =	vsel vm8, $0x1430, v2;
	v3 =	vsel vm8, $0x2530, v3  }
0x11: {  	s6 =	rddreg [dreg:$0x0];
	v4 =	vsel vm8, $0x3630, v4;
	v0 =	vsel vm7, $0x3B8, v0;
	v2 =	vsel vm7, $0x14B8, v2  }
0x12: {  	s1 =	srdreg.scid;
	s0 =	stileid.u32;
	v3 =	vsel vm7, $0x25B8, v3;
	v4 =	vsel vm7, $0x36B8, v4;
	v0 =	vsel vm6, $0x880, v0  }
0x13: {  	s2 =	rddreg [dreg:$0x1];
	s3 =	simm.s32 $0x0;
	s11 =	simm.s32 $0x3;
	v2 =	vsel vm6, $0x1980, v2;
	v3 =	vsel vm6, $0x2A80, v3;
	v4 =	vsel vm6, $0x3B80, v4  }
0x14: {  	s12 =	simm.s32 $0x100;
	s13 =	simm.s32 $0x200;
	s14 =	simm.s32 $0x4200;
	v0 =	vsel vm5, $0x908, v0;
	v2 =	vsel vm5, $0x1A08, v2;
	v3 =	vsel vm5, $0x2B08, v3  }
0x15: {  	s15 =	simm.s32 $0x1;
	s16 =	simm.s32 $0x8200;
	s17 =	simm.s32 $0x2;
	v4 =	vsel vm5, $0x3C08, v4;
	v0 =	vsel vm4, $0x990, v0;
	v2 =	vsel vm4, $0x1A90, v2  }
0x16: {  	s18 =	simm.s32 $0xC600;
	s5 =	sand.u32 $0x1, s1;
	s4 =	sshll.u32 s0, $0x1;
	v3 =	vsel vm4, $0x2B90, v3;
	v4 =	vsel vm4, $0x3C90, v4;
	v0 =	vsel vm3, $0xA18, v0  }
0x17: {  	s19 =	simm.s32 $0x0;
	[smem:$0x7FF] =	sst s3;
	s4 =	sor.u32 s5, s4;
	v2 =	vsel vm3, $0x1B18, v2;
	v3 =	vsel vm3, $0x2C18, v3;
	v4 =	vsel vm3, $0x3D18, v4  }
0x18: {  	_ =	strace $0x80000047;
	s7 =	ssub.s32 $0x2, s5;
	s4 =	smul.u32 $0x6400, s4;
	v0 =	vsel vm2, $0xAA0, v0;
	v2 =	vsel vm2, $0x1BA0, v2;
	v3 =	vsel vm2, $0x2CA0, v3  }
0x19: {  	s5 =	sadd.s32 $0x600, s6;
	s6 =	sadd.s32 $0xF42A00, s6;
	s8 =	sshrl.u32 s7, $0x1;
	v4 =	vsel vm2, $0x3DA0, v4;
	v0 =	vsel vm1, $0xB28, v0;
	v2 =	vsel vm1, $0x1C28, v2  }
0x1a: {  	s10 =	ssub.s32 s7, s8;
	s9 =	sshrl.u32 s4, $0x3;
	s8 =	sor.u32 $0x100, s4;
	v3 =	vsel vm1, $0x2D28, v3;
	v4 =	vsel vm1, $0x3E28, v4;
	v0 =	vsel vm0, $0xBB0, v0  }
0x1b: {  	s10 =	smax.u32 s10, $0x1;
	s7 =	sadd.s32 s5, s9;
	s9 =	sor.u32 $0x200, s4;
	v2 =	vsel vm0, $0x1CB0, v2;
	v3 =	vsel vm0, $0x2DB0, v3;
	v4 =	vsel vm0, $0x3EB0, v4  }
.LBB2_1:
0x1c: {  	[tilespmem:s3], [sflag:$0x3] =	stream.linear.gather [hbm4b:s7+s3], $0x100, $0x38;
	[tilespmem:$0x10A00] =	vst v63  }
0x1d: {  	_ =	swait.ge [sflag:s11], $0x100  }
0x1e: {  	[sflag:s11] =	ssyncset.done $0x0  }
0x1f: {  	s20 =	simm.s32 $0x0;
	[sflag:s11] =	ssyncadd.s32 $0xFFFFFF00  }
0x20: {  	[tilespmem:s13], [sflag:$0x1] =	stream.indirect.gather [hbm4b:s6+s12], $0x40, s3, s12, $0xb8;
	[tilespmem:$0x10A00] =	vst v63  }
.LBB2_2:
0x21: {  	s22 =	sshll.u32 s20, $0x9;
	s30 =	simm.s32 $0x1  }
0x22: {  	s25 =	simm.s32 $0x0;
	s24 =	simm.s32 $0x0;
	s1 =	simm.s32 $0x7  }
0x23: {  	s28 =	simm.s32 $0x6;
	s21 =	sadd.s32 s22, s8;
	s26 =	sand.u32 $0x78, s30  }
0x24: {  	s31 =	sand.u32 $0x78, s24;
	s29 =	sand.u32 $0x78, s28;
	s23 =	sshrl.u32 s21, $0x3  }
0x25: {  	v5 =	vmov s25;
	s30 =	simm.s32 $0x2;
	v6 =	vmov s26;
	s26 =	sand.u32 $0x78, s1;
	s23 =	sadd.s32 s5, s23  }
0x26: {  	v5 =	vmul.u32 $0x440, v5;
	v7 =	vmov s31;
	v11 =	vmov s29;
	[tilespmem:s12], [sflag:$0x3] =	stream.linear.gather [hbm4b:s23+s3], $0x100, $0x38;
	[tilespmem:$0x10A00] =	vst v63  }
0x27: {  	s25 =	sand.u32 $0x78, s30;
	s31 =	simm.s32 $0x4;
	v6 =	vshrl.u32 v6, $0x3;
	v9 =	vmov s26;
	v11 =	vshrl.u32 v11, $0x3;
	_ =	swait.ge [sflag:s11], $0x100  }
0x28: {  	s1 =	simm.s32 $0x5;
	v16 =	vmov s25;
	s29 =	sand.u32 $0x78, s31;
	v7 =	vshrl.u32 v7, $0x3;
	v5 =	vbroadcast v5, $0x0;
	[sflag:s11] =	ssyncset.done $0x0  }
0x29: {  	s30 =	sand.u32 $0x78, s1;
	v6 =	vshll.u32 v6, v1;
	v9 =	vshrl.u32 v9, $0x3;
	v19 =	vmov s29;
	[sflag:s11] =	ssyncadd.s32 $0xFFFFFF00  }
0x2a: {  	v20 =	vmov s30;
	v16 =	vshrl.u32 v16, $0x3;
	v7 =	vshll.u32 v7, v1;
	[tilespmem:s14], [sflag:$0x2] =	stream.indirect.gather [hbm4b:s6+s12], $0x40, s12, s12, $0xb8;
	[tilespmem:$0x10A00] =	vst v63  }
0x2b: {  	v11 =	vshll.u32 v11, v1;
	v12 =	vbroadcast v6, $0x0;
	v9 =	vshll.u32 v9, v1;
	_ =	swait.ge [sflag:s15], $0x4000  }
0x2c: {  	v19 =	vshrl.u32 v19, $0x3;
	v20 =	vshrl.u32 v20, $0x3;
	v16 =	vshll.u32 v16, v1;
	[sflag:s15] =	ssyncset.done $0x0  }
0x2d: {  	s23 =	simm.s32 $0x300;
	v30 =	vbroadcast v11, $0x0;
	v7 =	vbroadcast v7, $0x0;
	v10 =	vadd.s32 v4, v5;
	[sflag:s15] =	ssyncadd.s32 $0xFFFFC000  }
0x2e: {  	v13 =	vadd.s32 v0, v5;
	v9 =	vbroadcast v9, $0x0;
	v21 =	vadd.s32 v2, v5;
	v8 =	vld [tilespmem:s23+$0x0]  }
0x2f: {  	v19 =	vshll.u32 v19, v1;
	v22 =	vadd.s32 v3, v5;
	v20 =	vshll.u32 v20, v1  }
0x30: {  	v27 =	vbroadcast v16, $0x0;
	v14 =	vadd.s32 v13, v12;
	v19 =	vbroadcast v19, $0x0  }
0x31: {  	v20 =	vbroadcast v20, $0x0;
	v32 =	vadd.s32 v13, v30;
	v59 =	vadd.s32 v22, v30;
	v6 =	vld [tilespmem:s23+$0xFFFFFF40]  }
0x32: {  	v61 =	vadd.s32 v21, v30;
	v18 =	vadd.s32 v13, v9;
	v24 =	vadd.s32 v21, v9;
	v15 =	vld [tilespmem:s23+$0xC0]  }
0x33: {  	v28 =	vadd.s32 v21, v27;
	v17 =	vmul.f32 $8.000000000e+00, v8;
	v8 =	vor.u32 $0x1, v14  }
0x34: {  	v11 =	vadd.s32 v22, v27;
	v31 =	vadd.s32 v13, v27;
	v18 =	vor.u32 $0x7, v18  }
0x35: {  	s31 =	simm.s32 $0x3;
	v32 =	vor.u32 $0x6, v32;
	v27 =	vadd.s32 v10, v27;
	v25 =	vadd.s32 v13, v19;
	v16 =	vld [tilespmem:s23+$0x80]  }
0x36: {  	s25 =	sand.u32 $0x78, s31;
	v26 =	vadd.s32 v21, v19;
	v24 =	vor.u32 $0x7, v24;
	v23 =	vld [tilespmem:s23+$0x40];
	v6 =	vmul.f32 $8.000000000e+00, v6  }
0x37: {  	v31 =	vor.u32 $0x2, v31;
	v29 =	vld [tilespmem:s23+$0xFFFFFF80];
	v5 =	vmul.f32 $8.000000000e+00, v15;
	v15 =	vmov s25  }
0x38: {  	v35 =	vadd.s32 v13, v20;
	v34 =	vld [tilespmem:s23+$0xFFFFFFC0];
	[tilespmem:v8+s16+$0x0] =	vst.idx.msk $0xffff, v6;
	v6 =	vshrl.u32 v15, $0x3;
	v15 =	vor.u32 $0x4, v25  }
0x39: {  	v40 =	vadd.s32 v22, v19;
	v42 =	vadd.s32 v10, v20;
	[tilespmem:v18+s16+$0x0] =	vst.idx.msk $0xffff, v5;
	v5 =	vor.u32 $0x5, v35;
	v8 =	vld [tilespmem:s23+$0xFFFFFF50]  }
0x3a: {  	v62 =	vor.u32 $0x2, v28;
	v39 =	vor.u32 $0x4, v26;
	v36 =	vmul.f32 $8.000000000e+00, v16  }
0x3b: {  	v14 =	vadd.s32 v10, v12;
	v37 =	vld [tilespmem:s23+$0xD0];
	v25 =	vadd.s32 v21, v12;
	v6 =	vshll.u32 v6, v1  }
0x3c: {  	v23 =	vmul.f32 $8.000000000e+00, v23;
	[tilespmem:v32+s16+$0x0] =	vst.idx.msk $0xffff, v36;
	v25 =	vor.u32 $0x1, v25;
	v18 =	vbroadcast v6, $0x0  }
0x3d: {  	v38 =	vld [tilespmem:s23+$0xFFFFFF00];
	v26 =	vmul.f32 $8.000000000e+00, v34;
	[tilespmem:v15+s16+$0x0] =	vst.idx.msk $0xffff, v17;
	v15 =	vadd.s32 v21, v20;
	v17 =	vmul.f32 $8.000000000e+00, v29  }
0x3e: {  	v36 =	vld [tilespmem:s23+$0x90];
	[tilespmem:v5+s16+$0x0] =	vst.idx.msk $0xffff, v23;
	v29 =	vadd.s32 v13, v18;
	v13 =	vadd.s32 v7, v13;
	v33 =	vmul.f32 $8.000000000e+00, v8  }
0x3f: {  	v23 =	vld [tilespmem:s23+$0x50];
	v8 =	vor.u32 $0x2, v11;
	v11 =	vadd.s32 v22, v20;
	v29 =	vor.u32 $0x3, v29  }
0x40: {  	v20 =	vadd.s32 v7, v21;
	[tilespmem:v31+s16+$0x0] =	vst.idx.msk $0xffff, v17;
	v31 =	vadd.s32 v21, v18;
	v21 =	vmul.f32 $8.000000000e+00, v37  }
0x41: {  	v32 =	vor.u32 $0x6, v61;
	v12 =	vadd.s32 v22, v12;
	v6 =	vadd.s32 v7, v22;
	v41 =	vld [tilespmem:s23+$0xFFFFFF90];
	[tilespmem:v25+s16+$0x0] =	vst.idx.msk $0xffff, v33  }
0x42: {  	v5 =	vadd.s32 v7, v10;
	v60 =	vld [tilespmem:s23+$0x10];
	v7 =	vmul.f32 $8.000000000e+00, v38;
	[tilespmem:v24+s16+$0x0] =	vst.idx.msk $0xffff, v21;
	v21 =	vor.u32 $0x5, v15  }
0x43: {  	v16 =	vadd.s32 v22, v18;
	v17 =	vadd.s32 v10, v18;
	v18 =	vadd.s32 v22, v9;
	v22 =	vld [tilespmem:s23+$0xFFFFFF60]  }
0x44: {  	v9 =	vadd.s32 v10, v9;
	v23 =	vmul.f32 $8.000000000e+00, v23;
	v15 =	vmul.f32 $8.000000000e+00, v36;
	v63 =	vld [tilespmem:s23+$0xE0];
	[tilespmem:v13+s16+$0x0] =	vst.idx.msk $0xffff, v7  }
0x45: {  	v9 =	vor.u32 $0x7, v9;
	v24 =	vadd.s32 v10, v19;
	v19 =	vor.u32 $0x7, v18;
	[tilespmem:v29+s16+$0x0] =	vst.idx.msk $0xffff, v26;
	v28 =	vld [tilespmem:s23+$0xFFFFFF10]  }
0x46: {  	v18 =	vor.u32 $0x1, v12;
	v12 =	vor.u32 $0x5, v42;
	[tilespmem:v32+s16+$0x0] =	vst.idx.msk $0xffff, v15;
	v25 =	vld [tilespmem:s23+$0xFFFFFFD0];
	v26 =	vmul.f32 $8.000000000e+00, v41  }
0x47: {  	v10 =	vadd.s32 v10, v30;
	v34 =	vmul.f32 $8.000000000e+00, v60;
	v15 =	vor.u32 $0x2, v27;
	v27 =	vld [tilespmem:s23+$0xA0];
	[tilespmem:v21+s16+$0x0] =	vst.idx.msk $0xffff, v23  }
0x48: {  	v7 =	vor.u32 $0x1, v14;
	v14 =	vor.u32 $0x4, v40;
	v29 =	vor.u32 $0x3, v31;
	[tilespmem:v62+s16+$0x0] =	vst.idx.msk $0xffff, v26;
	v23 =	vld [tilespmem:s23+$0x60]  }
0x49: {  	s25 =	simm.s32 $0x500;
	v13 =	vor.u32 $0x4, v24;
	v24 =	vor.u32 $0x6, v59;
	[tilespmem:v39+s16+$0x0] =	vst.idx.msk $0xffff, v34;
	v21 =	vmul.f32 $8.000000000e+00, v63;
	v26 =	vld [tilespmem:s23+$0xFFFFFFA0]  }
.LBB2_3:
0x4a: {  	s28 =	sadd.s32 $0x9, s24  }
0x4b: {  	s29 =	sadd.s32 $0xA, s24;
	v22 =	vmul.f32 $8.000000000e+00, v22;
	v25 =	vmul.f32 $8.000000000e+00, v25;
	v30 =	vld [tilespmem:s23+$0x20];
	v31 =	vor.u32 $0x6, v10;
	s26 =	smov.u32 s24;
	s24 =	sadd.s32 $0x8, s24  }
0x4c: {  	v16 =	vor.u32 $0x3, v16;
	v11 =	vor.u32 $0x5, v11;
	s30 =	sshrl.u32 s24, $0x7;
	s31 =	sand.u32 $0x78, s24;
	s28 =	sand.u32 $0x78, s28;
	v32 =	vld [tilespmem:s25+$0xC0];
	v10 =	vmul.f32 $8.000000000e+00, v28  }
0x4d: {  	s1 =	sadd.s32 $0xF, s26;
	v28 =	vmov s30;
	v33 =	vmov s28;
	v34 =	vld [tilespmem:s25+$0xFFFFFF40];
	s28 =	sadd.s32 $0xB, s26;
	s30 =	sadd.s32 $0xE, s26;
	[tilespmem:v29+s16+$0x0] =	vst.idx.msk $0xffff, v25;
	v25 =	vmul.f32 $8.000000000e+00, v27  }
0x4e: {  	v27 =	vmov s31;
	s31 =	sadd.s32 $0xD, s26;
	s1 =	sand.u32 $0x78, s1;
	v28 =	vmul.u32 $0x440, v28;
	v29 =	vld [tilespmem:s25+$0x0];
	s30 =	sand.u32 $0x78, s30;
	[tilespmem:v20+s16+$0x0] =	vst.idx.msk $0xffff, v10;
	v10 =	vmul.f32 $8.000000000e+00, v26  }
0x4f: {  	v35 =	vor.u32 $0x3, v17;
	s29 =	sand.u32 $0x78, s29;
	s28 =	sand.u32 $0x78, s28;
	s31 =	sand.u32 $0x78, s31;
	v20 =	vmov s1;
	v26 =	vld [tilespmem:s23+$0xFFFFFFE0];
	v17 =	vmul.f32 $8.000000000e+00, v23;
	[tilespmem:v24+s16+$0x0] =	vst.idx.msk $0xffff, v25  }
0x50: {  	p0 =	slt.u32 s24, $0xF8;
	v24 =	vshrl.u32 v33, $0x3;
	v23 =	vbroadcast v28, $0x0;
	v25 =	vld [tilespmem:s23+$0xFFFFFF20];
	[tilespmem:v8+s16+$0x0] =	vst.idx.msk $0xffff, v10;
	v8 =	vmul.f32 $8.000000000e+00, v30  }
0x51: {  	v20 =	vshrl.u32 v20, $0x3;
	v24 =	vshll.u32 v24, v1;
	v28 =	vmov s30;
	v30 =	vld [tilespmem:s23+$0xFFFFFFB0];
	[tilespmem:v11+s16+$0x0] =	vst.idx.msk $0xffff, v17  }
0x52: {  	v17 =	vbroadcast v24, $0x0;
	v11 =	vshll.u32 v20, v1;
	v10 =	vadd.s32 v4, v23;
	[tilespmem:v14+s16+$0x0] =	vst.idx.msk $0xffff, v8;
	v8 =	vld [tilespmem:s23+$0x70]  }
0x53: {  	v24 =	vshrl.u32 v28, $0x3;
	v20 =	vadd.s32 v0, v23;
	v14 =	vbroadcast v11, $0x0;
	[tilespmem:v18+s16+$0x0] =	vst.idx.msk $0xffff, v22;
	v11 =	vld [tilespmem:s23+$0x30]  }
0x54: {  	v18 =	vadd.s32 v20, v17;
	v22 =	vmov s29;
	v28 =	vmul.f32 $8.000000000e+00, v29;
	v29 =	vld [tilespmem:s23+$0xB0]  }
0x55: {  	s1 =	sadd.s32 $0xC, s26;
	v33 =	vor.u32 $0x1, v18;
	v18 =	vadd.s32 v10, v17;
	v36 =	vadd.s32 v20, v14;
	v37 =	vld [tilespmem:s23+$0xFFFFFF70]  }
0x56: {  	s1 =	sand.u32 $0x78, s1;
	v38 =	vmov s31;
	v26 =	vmul.f32 $8.000000000e+00, v26;
	v36 =	vor.u32 $0x7, v36  }
0x57: {  	v39 =	vmov s1;
	v34 =	vmul.f32 $8.000000000e+00, v34;
	v30 =	vmul.f32 $8.000000000e+00, v30;
	[tilespmem:v19+s16+$0x0] =	vst.idx.msk $0xffff, v21  }
0x58: {  	v38 =	vshrl.u32 v38, $0x3;
	v25 =	vmul.f32 $8.000000000e+00, v25;
	v21 =	vadd.s32 v2, v23;
	[tilespmem:v16+s16+$0x0] =	vst.idx.msk $0xffff, v26;
	v16 =	vld [tilespmem:s23+$0xF0]  }
0x59: {  	v19 =	vadd.s32 v3, v23;
	v23 =	vshrl.u32 v39, $0x3;
	v26 =	vmul.f32 $8.000000000e+00, v32;
	[tilespmem:v15+s16+$0x0] =	vst.idx.msk $0xffff, v30;
	v15 =	vld [tilespmem:s23+$0xFFFFFFF0]  }
0x5a: {  	v23 =	vshll.u32 v23, v1;
	v30 =	vmov s28;
	[tilespmem:v6+s16+$0x0] =	vst.idx.msk $0xffff, v25;
	v6 =	vmul.f32 $8.000000000e+00, v11  }
0x5b: {  	v8 =	vmul.f32 $8.000000000e+00, v8;
	v23 =	vbroadcast v23, $0x0;
	v25 =	vadd.s32 v21, v14;
	v11 =	vld [tilespmem:s25+$0x40]  }
0x5c: {  	v22 =	vshrl.u32 v22, $0x3;
	v32 =	vshll.u32 v38, v1;
	v38 =	vld [tilespmem:s23+$0xFFFFFF30];
	[tilespmem:v13+s16+$0x0] =	vst.idx.msk $0xffff, v6;
	v6 =	vmul.f32 $8.000000000e+00, v29;
	s23 =	smov.u32 s25  }
0x5d: {  	v13 =	vadd.s32 v20, v23;
	v29 =	vadd.s32 v21, v23;
	[tilespmem:v33+s16+$0x0] =	vst.idx.msk $0xffff, v34;
	v33 =	vmul.f32 $8.000000000e+00, v37  }
0x5e: {  	v30 =	vshrl.u32 v30, $0x3;
	v13 =	vor.u32 $0x4, v13;
	v15 =	vmul.f32 $8.000000000e+00, v15;
	[tilespmem:v31+s16+$0x0] =	vst.idx.msk $0xffff, v6  }
0x5f: {  	v22 =	vshll.u32 v22, v1;
	v6 =	vshrl.u32 v27, $0x3;
	v27 =	vld [tilespmem:s25+$0xFFFFFF50];
	[tilespmem:v12+s16+$0x0] =	vst.idx.msk $0xffff, v8;
	v8 =	vmul.f32 $8.000000000e+00, v16  }
0x60: {  	v6 =	vshll.u32 v6, v1;
	v12 =	vadd.s32 v21, v17;
	v31 =	vmul.f32 $8.000000000e+00, v11;
	[tilespmem:v35+s16+$0x0] =	vst.idx.msk $0xffff, v15  }
0x61: {  	v15 =	vbroadcast v22, $0x0;
	v11 =	vshll.u32 v24, v1;
	v16 =	vmul.f32 $8.000000000e+00, v38;
	[tilespmem:v9+s16+$0x0] =	vst.idx.msk $0xffff, v8  }
0x62: {  	v22 =	vor.u32 $0x7, v25;
	v9 =	vshll.u32 v30, v1;
	v30 =	vbroadcast v11, $0x0;
	[tilespmem:v7+s16+$0x0] =	vst.idx.msk $0xffff, v33  }
0x63: {  	v24 =	vbroadcast v32, $0x0;
	v7 =	vadd.s32 v21, v15;
	v8 =	vadd.s32 v19, v15;
	v25 =	vld [tilespmem:s25+$0x80];
	[tilespmem:v5+s16+$0x0] =	vst.idx.msk $0xffff, v16  }
0x64: {  	v11 =	vadd.s32 v20, v15;
	v16 =	vadd.s32 v20, v30;
	v27 =	vmul.f32 $8.000000000e+00, v27;
	v5 =	vld [tilespmem:s25+$0xFFFFFF80]  }
0x65: {  	v32 =	vor.u32 $0x2, v11;
	v8 =	vor.u32 $0x2, v8;
	v34 =	vor.u32 $0x6, v16;
	v33 =	vld [tilespmem:s25+$0xFFFFFFC0]  }
0x66: {  	v35 =	vbroadcast v6, $0x0;
	v6 =	vadd.s32 v20, v24;
	v11 =	vadd.s32 v19, v24;
	[tilespmem:v36+s16+$0x0] =	vst.idx.msk $0xffff, v26  }
0x67: {  	v9 =	vbroadcast v9, $0x0;
	v36 =	vadd.s32 v19, v30;
	[tilespmem:v13+s16+$0x0] =	vst.idx.msk $0xffff, v28;
	v13 =	vor.u32 $0x5, v6  }
0x68: {  	v26 =	vadd.s32 v21, v24;
	v6 =	vadd.s32 v35, v19;
	v25 =	vmul.f32 $8.000000000e+00, v25;
	v28 =	vld [tilespmem:s25+$0xD0]  }
0x69: {  	v38 =	vor.u32 $0x4, v29;
	v16 =	vadd.s32 v19, v9;
	v37 =	vld [tilespmem:s25+$0xFFFFFF00];
	v5 =	vmul.f32 $8.000000000e+00, v5  }
0x6a: {  	v29 =	vmul.f32 $8.000000000e+00, v33;
	v33 =	vadd.s32 v20, v9;
	v39 =	vld [tilespmem:s25+$0x10];
	[tilespmem:v34+s16+$0x0] =	vst.idx.msk $0xffff, v25;
	v25 =	vadd.s32 v21, v30  }
0x6b: {  	v34 =	vadd.s32 v19, v23;
	[tilespmem:v32+s16+$0x0] =	vst.idx.msk $0xffff, v5;
	v32 =	vor.u32 $0x3, v33;
	v33 =	vadd.s32 v21, v9;
	v40 =	vld [tilespmem:s25+$0x90]  }
0x6c: {  	v12 =	vor.u32 $0x1, v12;
	v41 =	vadd.s32 v35, v20;
	v24 =	vadd.s32 v10, v24;
	v42 =	vld [tilespmem:s25+$0xFFFFFF90];
	[tilespmem:v13+s16+$0x0] =	vst.idx.msk $0xffff, v31  }
0x6d: {  	v20 =	vadd.s32 v35, v21;
	v21 =	vor.u32 $0x6, v25;
	v13 =	vld [tilespmem:s25+$0x50];
	v25 =	vmul.f32 $8.000000000e+00, v28  }
0x6e: {  	v5 =	vadd.s32 v35, v10;
	v35 =	vor.u32 $0x2, v7;
	v31 =	vadd.s32 v19, v17  }
0x6f: {  	v43 =	vor.u32 $0x5, v26;
	v17 =	vadd.s32 v10, v9;
	v39 =	vmul.f32 $8.000000000e+00, v39;
	[tilespmem:v22+s16+$0x0] =	vst.idx.msk $0xffff, v25  }
0x70: {  	v23 =	vadd.s32 v10, v23;
	v7 =	vmul.f32 $8.000000000e+00, v37;
	[tilespmem:v32+s16+$0x0] =	vst.idx.msk $0xffff, v29;
	v9 =	vmul.f32 $8.000000000e+00, v40;
	v32 =	vld [tilespmem:s25+$0xE0]  }
0x71: {  	v15 =	vadd.s32 v10, v15;
	v19 =	vadd.s32 v19, v14;
	[tilespmem:v12+s16+$0x0] =	vst.idx.msk $0xffff, v27;
	v12 =	vmul.f32 $8.000000000e+00, v42;
	v25 =	vld [tilespmem:s25+$0xFFFFFFD0]  }
.Ltmp0:
0x72: {  	[tilespmem:v41+s16+$0x0] =	vst.idx.msk $0xffff, v7;
	v22 =	vld [tilespmem:s25+$0xFFFFFF60];
	v7 =	vor.u32 $0x1, v18;
	v37 =	vmul.f32 $8.000000000e+00, v13;
	v13 =	vadd.s32 v10, v14;
	(pc) =	sbr.rel @p0 .LBB2_3-.Ltmp0, $4  }
0x73: {  	v19 =	vor.u32 $0x7, v19;
	v28 =	vld [tilespmem:s25+$0xFFFFFF10];
	[tilespmem:v21+s16+$0x0] =	vst.idx.msk $0xffff, v9;
	v9 =	vor.u32 $0x7, v13  }
0x74: {  	v15 =	vor.u32 $0x2, v15;
	v29 =	vor.u32 $0x3, v33;
	v18 =	vor.u32 $0x1, v31;
	[tilespmem:v35+s16+$0x0] =	vst.idx.msk $0xffff, v12;
	v27 =	vld [tilespmem:s25+$0xA0]  }
0x75: {  	v14 =	vor.u32 $0x4, v34;
	v13 =	vor.u32 $0x4, v23;
	v26 =	vld [tilespmem:s25+$0xFFFFFFA0];
	[tilespmem:v43+s16+$0x0] =	vst.idx.msk $0xffff, v37;
	v21 =	vmul.f32 $8.000000000e+00, v32  }
0x76: {  	v10 =	vadd.s32 v10, v30;
	v12 =	vor.u32 $0x5, v24;
	v24 =	vor.u32 $0x6, v36;
	s25 =	sadd.s32 $0x200, s25;
	[tilespmem:v38+s16+$0x0] =	vst.idx.msk $0xffff, v39;
	v23 =	vld [tilespmem:s23+$0x60]  }
0x77: {  	_ =	sdelay $0x1  }
0x78: {  	v25 =	vmul.f32 $8.000000000e+00, v25  }
0x79: {  	v30 =	vld [tilespmem:s23+$0x20]  }
0x7a: {  	v44 =	vmul.f32 $8.000000000e+00, v28;
	[tilespmem:v29+s16+$0x0] =	vst.idx.msk $0xffff, v25  }
0x7b: {  	v45 =	vld [tilespmem:s23+$0xFFFFFFE0]  }
0x7c: {  	v53 =	vmul.f32 $8.000000000e+00, v22;
	[tilespmem:v20+s16+$0x0] =	vst.idx.msk $0xffff, v44  }
0x7d: {  	v16 =	vor.u32 $0x3, v16;
	[tilespmem:v19+s16+$0x0] =	vst.idx.msk $0xffff, v21;
	v47 =	vmul.f32 $8.000000000e+00, v27;
	v48 =	vld [tilespmem:s23+$0xFFFFFF20]  }
0x7e: {  	v11 =	vor.u32 $0x5, v11;
	v58 =	vld [tilespmem:s23+$0xF0];
	[tilespmem:v18+s16+$0x0] =	vst.idx.msk $0xffff, v53;
	v46 =	vmul.f32 $8.000000000e+00, v30  }
0x7f: {  	v26 =	vmul.f32 $8.000000000e+00, v26;
	v59 =	vld [tilespmem:s23+$0xFFFFFF70];
	[tilespmem:v24+s16+$0x0] =	vst.idx.msk $0xffff, v47  }
0x80: {  	v52 =	vld [tilespmem:s23+$0xB0];
	[tilespmem:v14+s16+$0x0] =	vst.idx.msk $0xffff, v46;
	v51 =	vmul.f32 $8.000000000e+00, v45  }
0x81: {  	v49 =	vmul.f32 $8.000000000e+00, v23;
	[tilespmem:v8+s16+$0x0] =	vst.idx.msk $0xffff, v26;
	v14 =	vld [tilespmem:s23+$0x30]  }
0x82: {  	v10 =	vor.u32 $0x6, v10;
	v50 =	vld [tilespmem:s23+$0xFFFFFFB0];
	v55 =	vmul.f32 $8.000000000e+00, v48;
	[tilespmem:v16+s16+$0x0] =	vst.idx.msk $0xffff, v51  }
0x83: {  	[tilespmem:v11+s16+$0x0] =	vst.idx.msk $0xffff, v49;
	v62 =	vmul.f32 $8.000000000e+00, v58;
	v56 =	vld [tilespmem:s23+$0xFFFFFFF0]  }
0x84: {  	v54 =	vld [tilespmem:s23+$0x70];
	v63 =	vmul.f32 $8.000000000e+00, v59;
	[tilespmem:v6+s16+$0x0] =	vst.idx.msk $0xffff, v55  }
0x85: {  	v17 =	vor.u32 $0x3, v17;
	[tilespmem:v9+s16+$0x0] =	vst.idx.msk $0xffff, v62;
	v8 =	vmul.f32 $8.000000000e+00, v52;
	v60 =	vld [tilespmem:s23+$0xFFFFFF30]  }
0x86: {  	[tilespmem:v7+s16+$0x0] =	vst.idx.msk $0xffff, v63;
	v6 =	vmul.f32 $8.000000000e+00, v14  }
0x87: {  	v57 =	vmul.f32 $8.000000000e+00, v50;
	[tilespmem:v10+s16+$0x0] =	vst.idx.msk $0xffff, v8  }
0x88: {  	[tilespmem:v13+s16+$0x0] =	vst.idx.msk $0xffff, v6;
	v6 =	vmul.f32 $8.000000000e+00, v56  }
0x89: {  	s1 =	sadd.s32 s4, s22;
	v61 =	vmul.f32 $8.000000000e+00, v54;
	[tilespmem:v15+s16+$0x0] =	vst.idx.msk $0xffff, v57  }
0x8a: {  	s24 =	sshll.u32 s1, $0x3;
	s1 =	sand.u32 $0xE00, s1;
	[tilespmem:v17+s16+$0x0] =	vst.idx.msk $0xffff, v6;
	v6 =	vmul.f32 $8.000000000e+00, v60  }
0x8b: {  	s1 =	sadd.s32 s2, s1;
	s23 =	sand.u32 $0xFFF8000, s24;
	[tilespmem:v12+s16+$0x0] =	vst.idx.msk $0xffff, v61  }
0x8c: {  	s25 =	simm.s32 $0x8200;
	s1 =	sadd.s32 s23, s1;
	[tilespmem:v5+s16+$0x0] =	vst.idx.msk $0xffff, v6  }
0x8d: {  	[hbm4b:s1+s3] =	stream.linear.scatter [tilespmem:s25], [sflag:$0x3], $0x80, $0x38;
	[tilespmem:$0x10A00] =	vst v63  }
0x8e: {  	s26 =	simm.s32 $0x8288;
	s24 =	sadd.s32 $0x10, s1  }
0x8f: {  	[hbm4b:s24+s3] =	stream.linear.scatter [tilespmem:s26], [sflag:$0x3], $0x80, $0x38;
	[tilespmem:$0x10A00] =	vst v63  }
0x90: {  	s30 =	simm.s32 $0x8310;
	s31 =	sadd.s32 $0x20, s1  }
0x91: {  	[hbm4b:s31+s3] =	stream.linear.scatter [tilespmem:s30], [sflag:$0x3], $0x80, $0x38;
	[tilespmem:$0x10A00] =	vst v63  }
0x92: {  	s25 =	simm.s32 $0x8398;
	s26 =	sadd.s32 $0x30, s1  }
0x93: {  	[hbm4b:s26+s3] =	stream.linear.scatter [tilespmem:s25], [sflag:$0x3], $0x80, $0x38;
	[tilespmem:$0x10A00] =	vst v63  }
0x94: {  	s30 =	simm.s32 $0x8420;
	s31 =	sadd.s32 $0x40, s1  }
0x95: {  	[hbm4b:s31+s3] =	stream.linear.scatter [tilespmem:s30], [sflag:$0x3], $0x80, $0x38;
	[tilespmem:$0x10A00] =	vst v63  }
0x96: {  	s25 =	simm.s32 $0x84A8;
	s26 =	sadd.s32 $0x50, s1  }
0x97: {  	[hbm4b:s26+s3] =	stream.linear.scatter [tilespmem:s25], [sflag:$0x3], $0x80, $0x38;
	[tilespmem:$0x10A00] =	vst v63  }
0x98: {  	s30 =	simm.s32 $0x8530;
	s31 =	sadd.s32 $0x60, s1  }
0x99: {  	[hbm4b:s31+s3] =	stream.linear.scatter [tilespmem:s30], [sflag:$0x3], $0x80, $0x38;
	[tilespmem:$0x10A00] =	vst v63  }
0x9a: {  	s25 =	simm.s32 $0x85B8;
	s26 =	sadd.s32 $0x70, s1  }
0x9b: {  	[hbm4b:s26+s3] =	stream.linear.scatter [tilespmem:s25], [sflag:$0x3], $0x80, $0x38;
	[tilespmem:$0x10A00] =	vst v63  }
0x9c: {  	s30 =	simm.s32 $0x8640;
	s31 =	sadd.s32 $0x80, s1  }
0x9d: {  	[hbm4b:s31+s3] =	stream.linear.scatter [tilespmem:s30], [sflag:$0x3], $0x80, $0x38;
	[tilespmem:$0x10A00] =	vst v63  }
0x9e: {  	s25 =	simm.s32 $0x86C8;
	s26 =	sadd.s32 $0x90, s1  }
0x9f: {  	[hbm4b:s26+s3] =	stream.linear.scatter [tilespmem:s25], [sflag:$0x3], $0x80, $0x38;
	[tilespmem:$0x10A00] =	vst v63  }
0xa0: {  	s28 =	simm.s32 $0x4400;
	s30 =	simm.s32 $0x8750;
	s31 =	sadd.s32 $0xA0, s1  }
0xa1: {  	[hbm4b:s31+s3] =	stream.linear.scatter [tilespmem:s30], [sflag:$0x3], $0x80, $0x38;
	[tilespmem:$0x10A00] =	vst v63  }
0xa2: {  	s23 =	simm.s32 $0x880;
	s25 =	simm.s32 $0x87D8;
	s26 =	sadd.s32 $0xB0, s1  }
0xa3: {  	[hbm4b:s26+s3] =	stream.linear.scatter [tilespmem:s25], [sflag:$0x3], $0x80, $0x38;
	[tilespmem:$0x10A00] =	vst v63  }
0xa4: {  	s29 =	sadd.s32 $0xF0, s1;
	s30 =	simm.s32 $0x8860;
	s31 =	sadd.s32 $0xC0, s1  }
0xa5: {  	[hbm4b:s31+s3] =	stream.linear.scatter [tilespmem:s30], [sflag:$0x3], $0x80, $0x38;
	[tilespmem:$0x10A00] =	vst v63  }
0xa6: {  	s24 =	sadd.s32 $0x1000, s1;
	s25 =	simm.s32 $0x88E8;
	s26 =	sadd.s32 $0xD0, s1  }
0xa7: {  	[hbm4b:s26+s3] =	stream.linear.scatter [tilespmem:s25], [sflag:$0x3], $0x80, $0x38;
	[tilespmem:$0x10A00] =	vst v63  }
0xa8: {  	s30 =	simm.s32 $0x8970;
	s31 =	sadd.s32 $0xE0, s1;
	s25 =	simm.s32 $0x89F8  }
0xa9: {  	[hbm4b:s31+s3] =	stream.linear.scatter [tilespmem:s30], [sflag:$0x3], $0x80, $0x38;
	[tilespmem:$0x10A00] =	vst v63  }
.LBB2_5:
0xaa: {  	[hbm4b:s29+s3] =	stream.linear.scatter [tilespmem:s25], [sflag:$0x3], $0x80, $0x38;
	[tilespmem:$0x10A00] =	vst v63  }
0xab: {  	s25 =	smov.u32 s23;
	s1 =	smov.u32 s28  }
0xac: {  	s26 =	sadd.s32 $0x2200, s28;
	s23 =	sshra.s32 s1, $0x2;
	s1 =	sadd.s32 $0x8200, s25  }
0xad: {  	[hbm4b:s24+s3] =	stream.linear.scatter [tilespmem:s1], [sflag:$0x3], $0x80, $0x38;
	[tilespmem:$0x10A00] =	vst v63  }
0xae: {  	p0 =	sne.s32 s28, $0xEE00;
	s28 =	sadd.s32 $0x10, s24;
	s1 =	sadd.s32 $0x8288, s25  }
0xaf: {  	[hbm4b:s28+s3] =	stream.linear.scatter [tilespmem:s1], [sflag:$0x3], $0x80, $0x38;
	[tilespmem:$0x10A00] =	vst v63  }
0xb0: {  	s1 =	sadd.s32 $0x8310, s25;
	s28 =	sadd.s32 $0x20, s24  }
0xb1: {  	[hbm4b:s28+s3] =	stream.linear.scatter [tilespmem:s1], [sflag:$0x3], $0x80, $0x38;
	[tilespmem:$0x10A00] =	vst v63  }
0xb2: {  	s1 =	sadd.s32 $0x8398, s25;
	s28 =	sadd.s32 $0x30, s24  }
0xb3: {  	[hbm4b:s28+s3] =	stream.linear.scatter [tilespmem:s1], [sflag:$0x3], $0x80, $0x38;
	[tilespmem:$0x10A00] =	vst v63  }
0xb4: {  	s1 =	sadd.s32 $0x8420, s25;
	s28 =	sadd.s32 $0x40, s24  }
0xb5: {  	[hbm4b:s28+s3] =	stream.linear.scatter [tilespmem:s1], [sflag:$0x3], $0x80, $0x38;
	[tilespmem:$0x10A00] =	vst v63  }
0xb6: {  	s1 =	sadd.s32 $0x84A8, s25;
	s28 =	sadd.s32 $0x50, s24  }
0xb7: {  	[hbm4b:s28+s3] =	stream.linear.scatter [tilespmem:s1], [sflag:$0x3], $0x80, $0x38;
	[tilespmem:$0x10A00] =	vst v63  }
0xb8: {  	s1 =	sadd.s32 $0x8530, s25;
	s28 =	sadd.s32 $0x60, s24  }
0xb9: {  	[hbm4b:s28+s3] =	stream.linear.scatter [tilespmem:s1], [sflag:$0x3], $0x80, $0x38;
	[tilespmem:$0x10A00] =	vst v63  }
0xba: {  	s1 =	sadd.s32 $0x85B8, s25;
	s28 =	sadd.s32 $0x70, s24  }
0xbb: {  	[hbm4b:s28+s3] =	stream.linear.scatter [tilespmem:s1], [sflag:$0x3], $0x80, $0x38;
	[tilespmem:$0x10A00] =	vst v63  }
0xbc: {  	s1 =	sadd.s32 $0x8640, s25;
	s28 =	sadd.s32 $0x80, s24  }
0xbd: {  	[hbm4b:s28+s3] =	stream.linear.scatter [tilespmem:s1], [sflag:$0x3], $0x80, $0x38;
	[tilespmem:$0x10A00] =	vst v63  }
0xbe: {  	s1 =	sadd.s32 $0x86C8, s25;
	s28 =	sadd.s32 $0x90, s24  }
0xbf: {  	[hbm4b:s28+s3] =	stream.linear.scatter [tilespmem:s1], [sflag:$0x3], $0x80, $0x38;
	[tilespmem:$0x10A00] =	vst v63  }
0xc0: {  	s1 =	sadd.s32 $0x8750, s25;
	s28 =	sadd.s32 $0xA0, s24  }
0xc1: {  	[hbm4b:s28+s3] =	stream.linear.scatter [tilespmem:s1], [sflag:$0x3], $0x80, $0x38;
	[tilespmem:$0x10A00] =	vst v63  }
0xc2: {  	s1 =	sadd.s32 $0x87D8, s25;
	s28 =	sadd.s32 $0xB0, s24  }
0xc3: {  	[hbm4b:s28+s3] =	stream.linear.scatter [tilespmem:s1], [sflag:$0x3], $0x80, $0x38;
	[tilespmem:$0x10A00] =	vst v63  }
0xc4: {  	s1 =	sadd.s32 $0x8860, s25;
	s28 =	sadd.s32 $0xC0, s24  }
0xc5: {  	[hbm4b:s28+s3] =	stream.linear.scatter [tilespmem:s1], [sflag:$0x3], $0x80, $0x38;
	[tilespmem:$0x10A00] =	vst v63  }
.Ltmp1:
0xc6: {  	s1 =	sadd.s32 $0x88E8, s25;
	s28 =	sadd.s32 $0xD0, s24;
	(pc) =	sbr.rel @p0 .LBB2_5-.Ltmp1, $4  }
0xc7: {  	[hbm4b:s28+s3] =	stream.linear.scatter [tilespmem:s1], [sflag:$0x3], $0x80, $0x38;
	[tilespmem:$0x10A00] =	vst v63  }
0xc8: {  	s29 =	sadd.s32 $0xF0, s24;
	s1 =	sadd.s32 $0x8970, s25;
	s28 =	sadd.s32 $0xE0, s24  }
0xc9: {  	[hbm4b:s28+s3] =	stream.linear.scatter [tilespmem:s1], [sflag:$0x3], $0x80, $0x38;
	[tilespmem:$0x10A00] =	vst v63  }
0xca: {  	s25 =	sadd.s32 $0x89F8, s25;
	s24 =	sadd.s32 $0x1000, s24;
	s28 =	smov.u32 s26  }
0xcb: {  	[hbm4b:s29+s3] =	stream.linear.scatter [tilespmem:s25], [sflag:$0x3], $0x80, $0x38;
	[tilespmem:$0x10A00] =	vst v63  }
0xcc: {  	s1 =	sadd.s32 $0x8200, s23  }
0xcd: {  	[hbm4b:s24+s3] =	stream.linear.scatter [tilespmem:s1], [sflag:$0x3], $0x80, $0x38;
	[tilespmem:$0x10A00] =	vst v63  }
0xce: {  	s28 =	sadd.s32 $0x8288, s23;
	s29 =	sadd.s32 $0x10, s24  }
0xcf: {  	[hbm4b:s29+s3] =	stream.linear.scatter [tilespmem:s28], [sflag:$0x3], $0x80, $0x38;
	[tilespmem:$0x10A00] =	vst v63  }
0xd0: {  	s30 =	sadd.s32 $0x8310, s23;
	s31 =	sadd.s32 $0x20, s24  }
0xd1: {  	[hbm4b:s31+s3] =	stream.linear.scatter [tilespmem:s30], [sflag:$0x3], $0x80, $0x38;
	[tilespmem:$0x10A00] =	vst v63  }
0xd2: {  	s25 =	sadd.s32 $0x8398, s23;
	s26 =	sadd.s32 $0x30, s24  }
0xd3: {  	[hbm4b:s26+s3] =	stream.linear.scatter [tilespmem:s25], [sflag:$0x3], $0x80, $0x38;
	[tilespmem:$0x10A00] =	vst v63  }
0xd4: {  	s28 =	sadd.s32 $0x8420, s23;
	s29 =	sadd.s32 $0x40, s24  }
0xd5: {  	[hbm4b:s29+s3] =	stream.linear.scatter [tilespmem:s28], [sflag:$0x3], $0x80, $0x38;
	[tilespmem:$0x10A00] =	vst v63  }
0xd6: {  	s30 =	sadd.s32 $0x84A8, s23;
	s31 =	sadd.s32 $0x50, s24  }
0xd7: {  	[hbm4b:s31+s3] =	stream.linear.scatter [tilespmem:s30], [sflag:$0x3], $0x80, $0x38;
	[tilespmem:$0x10A00] =	vst v63  }
0xd8: {  	s25 =	sadd.s32 $0x8530, s23;
	s26 =	sadd.s32 $0x60, s24  }
0xd9: {  	[hbm4b:s26+s3] =	stream.linear.scatter [tilespmem:s25], [sflag:$0x3], $0x80, $0x38;
	[tilespmem:$0x10A00] =	vst v63  }
0xda: {  	s28 =	sadd.s32 $0x85B8, s23;
	s29 =	sadd.s32 $0x70, s24  }
0xdb: {  	[hbm4b:s29+s3] =	stream.linear.scatter [tilespmem:s28], [sflag:$0x3], $0x80, $0x38;
	[tilespmem:$0x10A00] =	vst v63  }
0xdc: {  	s30 =	sadd.s32 $0x8640, s23;
	s31 =	sadd.s32 $0x80, s24  }
0xdd: {  	[hbm4b:s31+s3] =	stream.linear.scatter [tilespmem:s30], [sflag:$0x3], $0x80, $0x38;
	[tilespmem:$0x10A00] =	vst v63  }
0xde: {  	s25 =	sadd.s32 $0x86C8, s23;
	s26 =	sadd.s32 $0x90, s24  }
0xdf: {  	[hbm4b:s26+s3] =	stream.linear.scatter [tilespmem:s25], [sflag:$0x3], $0x80, $0x38;
	[tilespmem:$0x10A00] =	vst v63  }
0xe0: {  	s28 =	sadd.s32 $0x8750, s23;
	s29 =	sadd.s32 $0xA0, s24  }
0xe1: {  	[hbm4b:s29+s3] =	stream.linear.scatter [tilespmem:s28], [sflag:$0x3], $0x80, $0x38;
	[tilespmem:$0x10A00] =	vst v63  }
0xe2: {  	s30 =	sadd.s32 $0x87D8, s23;
	s31 =	sadd.s32 $0xB0, s24  }
0xe3: {  	[hbm4b:s31+s3] =	stream.linear.scatter [tilespmem:s30], [sflag:$0x3], $0x80, $0x38;
	[tilespmem:$0x10A00] =	vst v63  }
0xe4: {  	s25 =	sadd.s32 $0x8860, s23;
	s26 =	sadd.s32 $0xC0, s24  }
0xe5: {  	[hbm4b:s26+s3] =	stream.linear.scatter [tilespmem:s25], [sflag:$0x3], $0x80, $0x38;
	[tilespmem:$0x10A00] =	vst v63  }
0xe6: {  	s28 =	sadd.s32 $0x88E8, s23;
	s29 =	sadd.s32 $0xD0, s24  }
0xe7: {  	[hbm4b:s29+s3] =	stream.linear.scatter [tilespmem:s28], [sflag:$0x3], $0x80, $0x38;
	[tilespmem:$0x10A00] =	vst v63  }
0xe8: {  	p0 =	seq.s32 s20, $0x31;
	s30 =	sadd.s32 $0x8970, s23;
	s31 =	sadd.s32 $0xE0, s24  }
0xe9: {  	[hbm4b:s31+s3] =	stream.linear.scatter [tilespmem:s30], [sflag:$0x3], $0x80, $0x38;
	[tilespmem:$0x10A00] =	vst v63  }
0xea: {  	s1 =	sadd.s32 @!p0 s22, s9;
	s23 =	sadd.s32 $0x89F8, s23;
	s24 =	sadd.s32 $0xF0, s24  }
0xeb: {  	[hbm4b:s24+s3] =	stream.linear.scatter [tilespmem:s23], [sflag:$0x3], $0x80, $0x38;
	[tilespmem:$0x10A00] =	vst v63  }
0xec: {  	s1 =	sshrl.u32 @!p0 s1, $0x3;
	_ =	swait.ge [sflag:s11], $0x4000  }
0xed: {  	s22 =	simm.s32 @!p0 $0x0;
	s1 =	sadd.s32 @!p0 s5, s1;
	[sflag:s11] =	ssyncset.done $0x0  }
0xee: {  	s26 =	simm.s32 $0x0;
	s30 =	simm.s32 $0x6;
	[sflag:s11] =	ssyncadd.s32 $0xFFFFC000  }
0xef: {  	v5 =	vmov s26;
	[tilespmem:s22], [sflag:$0x3] =	stream.linear.gather @!p0 [hbm4b:s1+s22], $0x100, $0x38;
	[tilespmem:$0x10A00] =	vst v63  }
0xf0: {  	v5 =	vmul.u32 $0x440, v5;
	s31 =	sand.u32 $0x78, s30;
	s1 =	simm.s32 @!p0 $0x3  }
0xf1: {  	v11 =	vmov s31;
	_ =	swait.ge @!p0 [sflag:s1], $0x100  }
0xf2: {  	v5 =	vbroadcast v5, $0x0;
	v11 =	vshrl.u32 v11, $0x3;
	[sflag:s1] =	ssyncset.done @!p0 $0x0  }
0xf3: {  	s23 =	simm.s32 @!p0 $0x200;
	v11 =	vshll.u32 v11, v1;
	[sflag:s1] =	ssyncadd.s32 @!p0 $0xFFFFFF00;
	s1 =	simm.s32 @!p0 $0x100  }
0xf4: {  	v10 =	vadd.s32 v4, v5;
	v30 =	vbroadcast v11, $0x0;
	[tilespmem:s23], [sflag:$0x1] =	stream.indirect.gather @!p0 [hbm4b:s6+s1], $0x40, s22, s1, $0xb8;
	[tilespmem:$0x10A00] =	vst v63  }
0xf5: {  	s25 =	simm.s32 $0x1;
	s26 =	simm.s32 $0x4;
	v13 =	vadd.s32 v0, v5;
	v21 =	vadd.s32 v2, v5;
	v22 =	vadd.s32 v3, v5;
	s23 =	simm.s32 $0x0  }
0xf6: {  	s29 =	simm.s32 $0x7;
	v32 =	vadd.s32 v13, v30;
	v59 =	vadd.s32 v22, v30;
	v61 =	vadd.s32 v21, v30;
	s1 =	sand.u32 $0x78, s25;
	s28 =	sand.u32 $0x78, s23  }
0xf7: {  	v32 =	vor.u32 $0x6, v32;
	s25 =	simm.s32 $0x2;
	v6 =	vmov s1;
	s1 =	sand.u32 $0x78, s29;
	s29 =	sand.u32 $0x78, s26;
	v7 =	vmov s28  }
0xf8: {  	_ =	swait.ge [sflag:s17], $0x4000;
	v6 =	vshrl.u32 v6, $0x3;
	v9 =	vmov s1;
	s1 =	sand.u32 $0x78, s25;
	v19 =	vmov s29  }
0xf9: {  	[sflag:s17] =	ssyncset.done $0x0;
	s28 =	simm.s32 $0x5;
	v6 =	vshll.u32 v6, v1;
	v9 =	vshrl.u32 v9, $0x3;
	v16 =	vmov s1  }
0xfa: {  	s22 =	simm.s32 $0x4300;
	[sflag:s17] =	ssyncadd.s32 $0xFFFFC000;
	s30 =	sand.u32 $0x78, s28;
	v19 =	vshrl.u32 v19, $0x3;
	v7 =	vshrl.u32 v7, $0x3;
	v12 =	vbroadcast v6, $0x0  }
0xfb: {  	v8 =	vld [tilespmem:s22+$0x0];
	v9 =	vshll.u32 v9, v1;
	v20 =	vmov s30;
	v19 =	vshll.u32 v19, v1  }
0xfc: {  	v16 =	vshrl.u32 v16, $0x3;
	v7 =	vshll.u32 v7, v1;
	v9 =	vbroadcast v9, $0x0  }
0xfd: {  	v20 =	vshrl.u32 v20, $0x3;
	v19 =	vbroadcast v19, $0x0;
	v16 =	vshll.u32 v16, v1  }
0xfe: {  	v6 =	vld [tilespmem:s22+$0xFFFFFF40];
	v7 =	vbroadcast v7, $0x0;
	v14 =	vadd.s32 v13, v12;
	v20 =	vshll.u32 v20, v1  }
0xff: {  	v15 =	vld [tilespmem:s22+$0xC0];
	v27 =	vbroadcast v16, $0x0;
	v18 =	vadd.s32 v13, v9;
	v24 =	vadd.s32 v21, v9  }
0x100: {  	v25 =	vadd.s32 v13, v19;
	v17 =	vmul.f32 $8.000000000e+00, v8;
	v8 =	vor.u32 $0x1, v14  }
0x101: {  	v23 =	vld [tilespmem:s22+$0x40];
	v26 =	vadd.s32 v21, v19;
	v20 =	vbroadcast v20, $0x0;
	v40 =	vadd.s32 v22, v19  }
0x102: {  	s31 =	simm.s32 $0x3;
	v34 =	vld [tilespmem:s22+$0xFFFFFFC0];
	v18 =	vor.u32 $0x7, v18;
	v24 =	vor.u32 $0x7, v24;
	v28 =	vadd.s32 v21, v27  }
0x103: {  	s1 =	sand.u32 $0x78, s31;
	v11 =	vadd.s32 v22, v27;
	v31 =	vadd.s32 v13, v27;
	v6 =	vmul.f32 $8.000000000e+00, v6  }
0x104: {  	v16 =	vld [tilespmem:s22+$0x80];
	v39 =	vor.u32 $0x4, v26;
	v5 =	vmul.f32 $8.000000000e+00, v15;
	v15 =	vmov s1  }
0x105: {  	v29 =	vld [tilespmem:s22+$0xFFFFFF80];
	v14 =	vadd.s32 v10, v12;
	[tilespmem:v8+s18+$0x0] =	vst.idx.msk $0xffff, v6;
	v6 =	vshrl.u32 v15, $0x3;
	v15 =	vor.u32 $0x4, v25  }
0x106: {  	v23 =	vmul.f32 $8.000000000e+00, v23;
	v31 =	vor.u32 $0x2, v31;
	v35 =	vadd.s32 v13, v20;
	v8 =	vld [tilespmem:s22+$0xFFFFFF50]  }
0x107: {  	v26 =	vmul.f32 $8.000000000e+00, v34;
	v42 =	vadd.s32 v10, v20;
	[tilespmem:v18+s18+$0x0] =	vst.idx.msk $0xffff, v5;
	v5 =	vor.u32 $0x5, v35  }
0x108: {  	v62 =	vor.u32 $0x2, v28;
	v25 =	vadd.s32 v21, v12;
	v37 =	vld [tilespmem:s22+$0xD0];
	v6 =	vshll.u32 v6, v1  }
0x109: {  	v36 =	vmul.f32 $8.000000000e+00, v16;
	v25 =	vor.u32 $0x1, v25;
	v18 =	vbroadcast v6, $0x0  }
0x10a: {  	v38 =	vld [tilespmem:s22+$0xFFFFFF00];
	v12 =	vadd.s32 v22, v12;
	[tilespmem:v15+s18+$0x0] =	vst.idx.msk $0xffff, v17;
	v15 =	vadd.s32 v21, v20;
	v17 =	vmul.f32 $8.000000000e+00, v29  }
0x10b: {  	[tilespmem:v32+s18+$0x0] =	vst.idx.msk $0xffff, v36;
	v29 =	vadd.s32 v13, v18;
	v13 =	vadd.s32 v7, v13;
	v33 =	vmul.f32 $8.000000000e+00, v8  }
0x10c: {  	v36 =	vld [tilespmem:s22+$0x90];
	[tilespmem:v5+s18+$0x0] =	vst.idx.msk $0xffff, v23;
	v8 =	vor.u32 $0x2, v11;
	v11 =	vadd.s32 v22, v20;
	v29 =	vor.u32 $0x3, v29  }
0x10d: {  	v23 =	vld [tilespmem:s22+$0x50];
	v20 =	vadd.s32 v7, v21;
	[tilespmem:v31+s18+$0x0] =	vst.idx.msk $0xffff, v17;
	v31 =	vadd.s32 v21, v18;
	v21 =	vmul.f32 $8.000000000e+00, v37  }
0x10e: {  	v32 =	vor.u32 $0x6, v61;
	v6 =	vadd.s32 v7, v22;
	v16 =	vadd.s32 v22, v18;
	v41 =	vld [tilespmem:s22+$0xFFFFFF90];
	[tilespmem:v25+s18+$0x0] =	vst.idx.msk $0xffff, v33  }
0x10f: {  	v5 =	vadd.s32 v7, v10;
	v60 =	vld [tilespmem:s22+$0x10];
	v7 =	vmul.f32 $8.000000000e+00, v38;
	[tilespmem:v24+s18+$0x0] =	vst.idx.msk $0xffff, v21;
	v21 =	vor.u32 $0x5, v15  }
0x110: {  	v17 =	vadd.s32 v10, v18;
	v18 =	vadd.s32 v22, v9;
	v9 =	vadd.s32 v10, v9;
	v22 =	vld [tilespmem:s22+$0xFFFFFF60]  }
0x111: {  	v27 =	vadd.s32 v10, v27;
	v9 =	vor.u32 $0x7, v9;
	v15 =	vmul.f32 $8.000000000e+00, v36;
	v63 =	vld [tilespmem:s22+$0xE0];
	[tilespmem:v13+s18+$0x0] =	vst.idx.msk $0xffff, v7  }
0x112: {  	v24 =	vadd.s32 v10, v19;
	v19 =	vor.u32 $0x7, v18;
	v23 =	vmul.f32 $8.000000000e+00, v23;
	[tilespmem:v29+s18+$0x0] =	vst.idx.msk $0xffff, v26;
	v28 =	vld [tilespmem:s22+$0xFFFFFF10]  }
0x113: {  	v18 =	vor.u32 $0x1, v12;
	v12 =	vor.u32 $0x5, v42;
	[tilespmem:v32+s18+$0x0] =	vst.idx.msk $0xffff, v15;
	v25 =	vld [tilespmem:s22+$0xFFFFFFD0];
	v26 =	vmul.f32 $8.000000000e+00, v41  }
0x114: {  	v10 =	vadd.s32 v10, v30;
	v34 =	vmul.f32 $8.000000000e+00, v60;
	v15 =	vor.u32 $0x2, v27;
	v27 =	vld [tilespmem:s22+$0xA0];
	[tilespmem:v21+s18+$0x0] =	vst.idx.msk $0xffff, v23  }
0x115: {  	v7 =	vor.u32 $0x1, v14;
	v14 =	vor.u32 $0x4, v40;
	v29 =	vor.u32 $0x3, v31;
	[tilespmem:v62+s18+$0x0] =	vst.idx.msk $0xffff, v26;
	v23 =	vld [tilespmem:s22+$0x60]  }
0x116: {  	s24 =	simm.s32 $0x4500;
	v13 =	vor.u32 $0x4, v24;
	v24 =	vor.u32 $0x6, v59;
	[tilespmem:v39+s18+$0x0] =	vst.idx.msk $0xffff, v34;
	v21 =	vmul.f32 $8.000000000e+00, v63;
	v26 =	vld [tilespmem:s22+$0xFFFFFFA0]  }
.LBB2_7:
0x117: {  	s1 =	sadd.s32 $0x9, s23  }
0x118: {  	s26 =	sadd.s32 $0xA, s23;
	v22 =	vmul.f32 $8.000000000e+00, v22;
	v25 =	vmul.f32 $8.000000000e+00, v25;
	v30 =	vld [tilespmem:s22+$0x20];
	v31 =	vor.u32 $0x6, v10;
	s25 =	smov.u32 s23;
	s23 =	sadd.s32 $0x8, s23  }
0x119: {  	v16 =	vor.u32 $0x3, v16;
	v11 =	vor.u32 $0x5, v11;
	s28 =	sshrl.u32 s23, $0x7;
	s29 =	sand.u32 $0x78, s23;
	s1 =	sand.u32 $0x78, s1;
	v32 =	vld [tilespmem:s24+$0xC0];
	v10 =	vmul.f32 $8.000000000e+00, v28  }
0x11a: {  	s30 =	sadd.s32 $0xF, s25;
	v28 =	vmov s28;
	v33 =	vmov s1;
	v34 =	vld [tilespmem:s24+$0xFFFFFF40];
	s1 =	sadd.s32 $0xB, s25;
	s28 =	sadd.s32 $0xE, s25;
	[tilespmem:v29+s18+$0x0] =	vst.idx.msk $0xffff, v25;
	v25 =	vmul.f32 $8.000000000e+00, v27  }
0x11b: {  	v27 =	vmov s29;
	s29 =	sadd.s32 $0xD, s25;
	s30 =	sand.u32 $0x78, s30;
	v28 =	vmul.u32 $0x440, v28;
	v29 =	vld [tilespmem:s24+$0x0];
	s28 =	sand.u32 $0x78, s28;
	[tilespmem:v20+s18+$0x0] =	vst.idx.msk $0xffff, v10;
	v10 =	vmul.f32 $8.000000000e+00, v26  }
0x11c: {  	v35 =	vor.u32 $0x3, v17;
	s31 =	sand.u32 $0x78, s26;
	s26 =	sand.u32 $0x78, s1;
	s1 =	sand.u32 $0x78, s29;
	v20 =	vmov s30;
	v26 =	vld [tilespmem:s22+$0xFFFFFFE0];
	v17 =	vmul.f32 $8.000000000e+00, v23;
	[tilespmem:v24+s18+$0x0] =	vst.idx.msk $0xffff, v25  }
0x11d: {  	p0 =	slt.u32 s23, $0xF8;
	v24 =	vshrl.u32 v33, $0x3;
	v23 =	vbroadcast v28, $0x0;
	v25 =	vld [tilespmem:s22+$0xFFFFFF20];
	[tilespmem:v8+s18+$0x0] =	vst.idx.msk $0xffff, v10;
	v8 =	vmul.f32 $8.000000000e+00, v30  }
0x11e: {  	v20 =	vshrl.u32 v20, $0x3;
	v24 =	vshll.u32 v24, v1;
	v28 =	vmov s28;
	v30 =	vld [tilespmem:s22+$0xFFFFFFB0];
	[tilespmem:v11+s18+$0x0] =	vst.idx.msk $0xffff, v17  }
0x11f: {  	v17 =	vbroadcast v24, $0x0;
	v11 =	vshll.u32 v20, v1;
	v10 =	vadd.s32 v4, v23;
	[tilespmem:v14+s18+$0x0] =	vst.idx.msk $0xffff, v8;
	v8 =	vld [tilespmem:s22+$0x70]  }
0x120: {  	v24 =	vshrl.u32 v28, $0x3;
	v20 =	vadd.s32 v0, v23;
	v14 =	vbroadcast v11, $0x0;
	[tilespmem:v18+s18+$0x0] =	vst.idx.msk $0xffff, v22;
	v11 =	vld [tilespmem:s22+$0x30]  }
0x121: {  	v18 =	vadd.s32 v20, v17;
	v22 =	vmov s31;
	v28 =	vmul.f32 $8.000000000e+00, v29;
	v29 =	vld [tilespmem:s22+$0xB0]  }
0x122: {  	s25 =	sadd.s32 $0xC, s25;
	v33 =	vor.u32 $0x1, v18;
	v18 =	vadd.s32 v10, v17;
	v36 =	vadd.s32 v20, v14;
	v37 =	vld [tilespmem:s22+$0xFFFFFF70]  }
0x123: {  	s25 =	sand.u32 $0x78, s25;
	v38 =	vmov s1;
	v26 =	vmul.f32 $8.000000000e+00, v26;
	v36 =	vor.u32 $0x7, v36  }
0x124: {  	v39 =	vmov s25;
	v34 =	vmul.f32 $8.000000000e+00, v34;
	v30 =	vmul.f32 $8.000000000e+00, v30;
	[tilespmem:v19+s18+$0x0] =	vst.idx.msk $0xffff, v21  }
0x125: {  	v38 =	vshrl.u32 v38, $0x3;
	v25 =	vmul.f32 $8.000000000e+00, v25;
	v21 =	vadd.s32 v2, v23;
	[tilespmem:v16+s18+$0x0] =	vst.idx.msk $0xffff, v26;
	v16 =	vld [tilespmem:s22+$0xF0]  }
0x126: {  	v19 =	vadd.s32 v3, v23;
	v23 =	vshrl.u32 v39, $0x3;
	v26 =	vmul.f32 $8.000000000e+00, v32;
	[tilespmem:v15+s18+$0x0] =	vst.idx.msk $0xffff, v30;
	v15 =	vld [tilespmem:s22+$0xFFFFFFF0]  }
0x127: {  	v23 =	vshll.u32 v23, v1;
	v30 =	vmov s26;
	[tilespmem:v6+s18+$0x0] =	vst.idx.msk $0xffff, v25;
	v6 =	vmul.f32 $8.000000000e+00, v11  }
0x128: {  	v8 =	vmul.f32 $8.000000000e+00, v8;
	v23 =	vbroadcast v23, $0x0;
	v25 =	vadd.s32 v21, v14;
	v11 =	vld [tilespmem:s24+$0x40]  }
0x129: {  	v22 =	vshrl.u32 v22, $0x3;
	v32 =	vshll.u32 v38, v1;
	v38 =	vld [tilespmem:s22+$0xFFFFFF30];
	[tilespmem:v13+s18+$0x0] =	vst.idx.msk $0xffff, v6;
	v6 =	vmul.f32 $8.000000000e+00, v29;
	s22 =	smov.u32 s24  }
0x12a: {  	v13 =	vadd.s32 v20, v23;
	v29 =	vadd.s32 v21, v23;
	[tilespmem:v33+s18+$0x0] =	vst.idx.msk $0xffff, v34;
	v33 =	vmul.f32 $8.000000000e+00, v37  }
0x12b: {  	v30 =	vshrl.u32 v30, $0x3;
	v13 =	vor.u32 $0x4, v13;
	v15 =	vmul.f32 $8.000000000e+00, v15;
	[tilespmem:v31+s18+$0x0] =	vst.idx.msk $0xffff, v6  }
0x12c: {  	v22 =	vshll.u32 v22, v1;
	v6 =	vshrl.u32 v27, $0x3;
	v27 =	vld [tilespmem:s24+$0xFFFFFF50];
	[tilespmem:v12+s18+$0x0] =	vst.idx.msk $0xffff, v8;
	v8 =	vmul.f32 $8.000000000e+00, v16  }
0x12d: {  	v6 =	vshll.u32 v6, v1;
	v12 =	vadd.s32 v21, v17;
	v31 =	vmul.f32 $8.000000000e+00, v11;
	[tilespmem:v35+s18+$0x0] =	vst.idx.msk $0xffff, v15  }
0x12e: {  	v15 =	vbroadcast v22, $0x0;
	v11 =	vshll.u32 v24, v1;
	v16 =	vmul.f32 $8.000000000e+00, v38;
	[tilespmem:v9+s18+$0x0] =	vst.idx.msk $0xffff, v8  }
0x12f: {  	v22 =	vor.u32 $0x7, v25;
	v9 =	vshll.u32 v30, v1;
	v30 =	vbroadcast v11, $0x0;
	[tilespmem:v7+s18+$0x0] =	vst.idx.msk $0xffff, v33  }
0x130: {  	v24 =	vbroadcast v32, $0x0;
	v7 =	vadd.s32 v21, v15;
	v8 =	vadd.s32 v19, v15;
	v25 =	vld [tilespmem:s24+$0x80];
	[tilespmem:v5+s18+$0x0] =	vst.idx.msk $0xffff, v16  }
0x131: {  	v11 =	vadd.s32 v20, v15;
	v16 =	vadd.s32 v20, v30;
	v27 =	vmul.f32 $8.000000000e+00, v27;
	v5 =	vld [tilespmem:s24+$0xFFFFFF80]  }
0x132: {  	v32 =	vor.u32 $0x2, v11;
	v8 =	vor.u32 $0x2, v8;
	v34 =	vor.u32 $0x6, v16;
	v33 =	vld [tilespmem:s24+$0xFFFFFFC0]  }
0x133: {  	v35 =	vbroadcast v6, $0x0;
	v6 =	vadd.s32 v20, v24;
	v11 =	vadd.s32 v19, v24;
	[tilespmem:v36+s18+$0x0] =	vst.idx.msk $0xffff, v26  }
0x134: {  	v9 =	vbroadcast v9, $0x0;
	v36 =	vadd.s32 v19, v30;
	[tilespmem:v13+s18+$0x0] =	vst.idx.msk $0xffff, v28;
	v13 =	vor.u32 $0x5, v6  }
0x135: {  	v26 =	vadd.s32 v21, v24;
	v6 =	vadd.s32 v35, v19;
	v25 =	vmul.f32 $8.000000000e+00, v25;
	v28 =	vld [tilespmem:s24+$0xD0]  }
0x136: {  	v38 =	vor.u32 $0x4, v29;
	v16 =	vadd.s32 v19, v9;
	v37 =	vld [tilespmem:s24+$0xFFFFFF00];
	v5 =	vmul.f32 $8.000000000e+00, v5  }
0x137: {  	v29 =	vmul.f32 $8.000000000e+00, v33;
	v33 =	vadd.s32 v20, v9;
	v39 =	vld [tilespmem:s24+$0x10];
	[tilespmem:v34+s18+$0x0] =	vst.idx.msk $0xffff, v25;
	v25 =	vadd.s32 v21, v30  }
0x138: {  	v34 =	vadd.s32 v19, v23;
	[tilespmem:v32+s18+$0x0] =	vst.idx.msk $0xffff, v5;
	v32 =	vor.u32 $0x3, v33;
	v33 =	vadd.s32 v21, v9;
	v40 =	vld [tilespmem:s24+$0x90]  }
0x139: {  	v12 =	vor.u32 $0x1, v12;
	v41 =	vadd.s32 v35, v20;
	v24 =	vadd.s32 v10, v24;
	v42 =	vld [tilespmem:s24+$0xFFFFFF90];
	[tilespmem:v13+s18+$0x0] =	vst.idx.msk $0xffff, v31  }
0x13a: {  	v20 =	vadd.s32 v35, v21;
	v21 =	vor.u32 $0x6, v25;
	v13 =	vld [tilespmem:s24+$0x50];
	v25 =	vmul.f32 $8.000000000e+00, v28  }
0x13b: {  	v5 =	vadd.s32 v35, v10;
	v35 =	vor.u32 $0x2, v7;
	v31 =	vadd.s32 v19, v17  }
0x13c: {  	v43 =	vor.u32 $0x5, v26;
	v17 =	vadd.s32 v10, v9;
	v39 =	vmul.f32 $8.000000000e+00, v39;
	[tilespmem:v22+s18+$0x0] =	vst.idx.msk $0xffff, v25  }
0x13d: {  	v23 =	vadd.s32 v10, v23;
	v7 =	vmul.f32 $8.000000000e+00, v37;
	[tilespmem:v32+s18+$0x0] =	vst.idx.msk $0xffff, v29;
	v9 =	vmul.f32 $8.000000000e+00, v40;
	v32 =	vld [tilespmem:s24+$0xE0]  }
0x13e: {  	v15 =	vadd.s32 v10, v15;
	v19 =	vadd.s32 v19, v14;
	[tilespmem:v12+s18+$0x0] =	vst.idx.msk $0xffff, v27;
	v12 =	vmul.f32 $8.000000000e+00, v42;
	v25 =	vld [tilespmem:s24+$0xFFFFFFD0]  }
.Ltmp2:
0x13f: {  	[tilespmem:v41+s18+$0x0] =	vst.idx.msk $0xffff, v7;
	v22 =	vld [tilespmem:s24+$0xFFFFFF60];
	v7 =	vor.u32 $0x1, v18;
	v37 =	vmul.f32 $8.000000000e+00, v13;
	v13 =	vadd.s32 v10, v14;
	(pc) =	sbr.rel @p0 .LBB2_7-.Ltmp2, $4  }
0x140: {  	v19 =	vor.u32 $0x7, v19;
	v28 =	vld [tilespmem:s24+$0xFFFFFF10];
	[tilespmem:v21+s18+$0x0] =	vst.idx.msk $0xffff, v9;
	v9 =	vor.u32 $0x7, v13  }
0x141: {  	v15 =	vor.u32 $0x2, v15;
	v29 =	vor.u32 $0x3, v33;
	v18 =	vor.u32 $0x1, v31;
	[tilespmem:v35+s18+$0x0] =	vst.idx.msk $0xffff, v12;
	v27 =	vld [tilespmem:s24+$0xA0]  }
0x142: {  	v14 =	vor.u32 $0x4, v34;
	v13 =	vor.u32 $0x4, v23;
	v26 =	vld [tilespmem:s24+$0xFFFFFFA0];
	[tilespmem:v43+s18+$0x0] =	vst.idx.msk $0xffff, v37;
	v21 =	vmul.f32 $8.000000000e+00, v32  }
0x143: {  	v10 =	vadd.s32 v10, v30;
	v12 =	vor.u32 $0x5, v24;
	v24 =	vor.u32 $0x6, v36;
	s24 =	sadd.s32 $0x200, s24;
	[tilespmem:v38+s18+$0x0] =	vst.idx.msk $0xffff, v39;
	v23 =	vld [tilespmem:s22+$0x60]  }
0x144: {  	_ =	sdelay $0x1  }
0x145: {  	v25 =	vmul.f32 $8.000000000e+00, v25  }
0x146: {  	v30 =	vld [tilespmem:s22+$0x20]  }
0x147: {  	v44 =	vmul.f32 $8.000000000e+00, v28;
	[tilespmem:v29+s18+$0x0] =	vst.idx.msk $0xffff, v25  }
0x148: {  	v45 =	vld [tilespmem:s22+$0xFFFFFFE0]  }
0x149: {  	v53 =	vmul.f32 $8.000000000e+00, v22;
	[tilespmem:v20+s18+$0x0] =	vst.idx.msk $0xffff, v44  }
0x14a: {  	v16 =	vor.u32 $0x3, v16;
	[tilespmem:v19+s18+$0x0] =	vst.idx.msk $0xffff, v21;
	v47 =	vmul.f32 $8.000000000e+00, v27;
	v48 =	vld [tilespmem:s22+$0xFFFFFF20]  }
0x14b: {  	v11 =	vor.u32 $0x5, v11;
	v58 =	vld [tilespmem:s22+$0xF0];
	[tilespmem:v18+s18+$0x0] =	vst.idx.msk $0xffff, v53;
	v46 =	vmul.f32 $8.000000000e+00, v30  }
0x14c: {  	v26 =	vmul.f32 $8.000000000e+00, v26;
	v59 =	vld [tilespmem:s22+$0xFFFFFF70];
	[tilespmem:v24+s18+$0x0] =	vst.idx.msk $0xffff, v47  }
0x14d: {  	v52 =	vld [tilespmem:s22+$0xB0];
	[tilespmem:v14+s18+$0x0] =	vst.idx.msk $0xffff, v46;
	v51 =	vmul.f32 $8.000000000e+00, v45  }
0x14e: {  	v49 =	vmul.f32 $8.000000000e+00, v23;
	[tilespmem:v8+s18+$0x0] =	vst.idx.msk $0xffff, v26;
	v14 =	vld [tilespmem:s22+$0x30]  }
0x14f: {  	v10 =	vor.u32 $0x6, v10;
	v50 =	vld [tilespmem:s22+$0xFFFFFFB0];
	v55 =	vmul.f32 $8.000000000e+00, v48;
	[tilespmem:v16+s18+$0x0] =	vst.idx.msk $0xffff, v51  }
0x150: {  	[tilespmem:v11+s18+$0x0] =	vst.idx.msk $0xffff, v49;
	v62 =	vmul.f32 $8.000000000e+00, v58;
	v56 =	vld [tilespmem:s22+$0xFFFFFFF0]  }
0x151: {  	v54 =	vld [tilespmem:s22+$0x70];
	v63 =	vmul.f32 $8.000000000e+00, v59;
	[tilespmem:v6+s18+$0x0] =	vst.idx.msk $0xffff, v55  }
0x152: {  	v17 =	vor.u32 $0x3, v17;
	[tilespmem:v9+s18+$0x0] =	vst.idx.msk $0xffff, v62;
	v8 =	vmul.f32 $8.000000000e+00, v52;
	v60 =	vld [tilespmem:s22+$0xFFFFFF30]  }
0x153: {  	[tilespmem:v7+s18+$0x0] =	vst.idx.msk $0xffff, v63;
	v6 =	vmul.f32 $8.000000000e+00, v14  }
0x154: {  	v57 =	vmul.f32 $8.000000000e+00, v50;
	[tilespmem:v10+s18+$0x0] =	vst.idx.msk $0xffff, v8  }
0x155: {  	[tilespmem:v13+s18+$0x0] =	vst.idx.msk $0xffff, v6;
	v6 =	vmul.f32 $8.000000000e+00, v56  }
0x156: {  	v61 =	vmul.f32 $8.000000000e+00, v54;
	[tilespmem:v15+s18+$0x0] =	vst.idx.msk $0xffff, v57  }
0x157: {  	s1 =	sshll.u32 s21, $0x3;
	s25 =	sand.u32 $0xF00, s21;
	[tilespmem:v17+s18+$0x0] =	vst.idx.msk $0xffff, v6;
	v6 =	vmul.f32 $8.000000000e+00, v60  }
0x158: {  	s1 =	sand.u32 $0xFFF8000, s1;
	s21 =	sadd.s32 s2, s25;
	[tilespmem:v12+s18+$0x0] =	vst.idx.msk $0xffff, v61  }
0x159: {  	s26 =	simm.s32 $0xC600;
	s1 =	sadd.s32 s1, s21;
	[tilespmem:v5+s18+$0x0] =	vst.idx.msk $0xffff, v6  }
0x15a: {  	[hbm4b:s1+s3] =	stream.linear.scatter [tilespmem:s26], [sflag:$0x3], $0x80, $0x38;
	[tilespmem:$0x10A00] =	vst v63  }
0x15b: {  	s28 =	simm.s32 $0xC688;
	s29 =	sadd.s32 $0x10, s1  }
0x15c: {  	[hbm4b:s29+s3] =	stream.linear.scatter [tilespmem:s28], [sflag:$0x3], $0x80, $0x38;
	[tilespmem:$0x10A00] =	vst v63  }
0x15d: {  	s30 =	simm.s32 $0xC710;
	s31 =	sadd.s32 $0x20, s1  }
0x15e: {  	[hbm4b:s31+s3] =	stream.linear.scatter [tilespmem:s30], [sflag:$0x3], $0x80, $0x38;
	[tilespmem:$0x10A00] =	vst v63  }
0x15f: {  	s23 =	simm.s32 $0xC798;
	s24 =	sadd.s32 $0x30, s1  }
0x160: {  	[hbm4b:s24+s3] =	stream.linear.scatter [tilespmem:s23], [sflag:$0x3], $0x80, $0x38;
	[tilespmem:$0x10A00] =	vst v63  }
0x161: {  	s25 =	simm.s32 $0xC820;
	s26 =	sadd.s32 $0x40, s1  }
0x162: {  	[hbm4b:s26+s3] =	stream.linear.scatter [tilespmem:s25], [sflag:$0x3], $0x80, $0x38;
	[tilespmem:$0x10A00] =	vst v63  }
0x163: {  	s28 =	simm.s32 $0xC8A8;
	s29 =	sadd.s32 $0x50, s1  }
0x164: {  	[hbm4b:s29+s3] =	stream.linear.scatter [tilespmem:s28], [sflag:$0x3], $0x80, $0x38;
	[tilespmem:$0x10A00] =	vst v63  }
0x165: {  	s30 =	simm.s32 $0xC930;
	s31 =	sadd.s32 $0x60, s1  }
0x166: {  	[hbm4b:s31+s3] =	stream.linear.scatter [tilespmem:s30], [sflag:$0x3], $0x80, $0x38;
	[tilespmem:$0x10A00] =	vst v63  }
0x167: {  	s23 =	simm.s32 $0xC9B8;
	s24 =	sadd.s32 $0x70, s1  }
0x168: {  	[hbm4b:s24+s3] =	stream.linear.scatter [tilespmem:s23], [sflag:$0x3], $0x80, $0x38;
	[tilespmem:$0x10A00] =	vst v63  }
0x169: {  	s25 =	simm.s32 $0xCA40;
	s26 =	sadd.s32 $0x80, s1  }
0x16a: {  	[hbm4b:s26+s3] =	stream.linear.scatter [tilespmem:s25], [sflag:$0x3], $0x80, $0x38;
	[tilespmem:$0x10A00] =	vst v63  }
0x16b: {  	s28 =	simm.s32 $0xCAC8;
	s29 =	sadd.s32 $0x90, s1  }
0x16c: {  	[hbm4b:s29+s3] =	stream.linear.scatter [tilespmem:s28], [sflag:$0x3], $0x80, $0x38;
	[tilespmem:$0x10A00] =	vst v63  }
0x16d: {  	s21 =	simm.s32 $0x880;
	s30 =	simm.s32 $0xCB50;
	s31 =	sadd.s32 $0xA0, s1  }
0x16e: {  	[hbm4b:s31+s3] =	stream.linear.scatter [tilespmem:s30], [sflag:$0x3], $0x80, $0x38;
	[tilespmem:$0x10A00] =	vst v63  }
0x16f: {  	s22 =	sadd.s32 $0x1000, s1;
	s23 =	simm.s32 $0xCBD8;
	s24 =	sadd.s32 $0xB0, s1  }
0x170: {  	[hbm4b:s24+s3] =	stream.linear.scatter [tilespmem:s23], [sflag:$0x3], $0x80, $0x38;
	[tilespmem:$0x10A00] =	vst v63  }
0x171: {  	s25 =	simm.s32 $0xCC60;
	s26 =	sadd.s32 $0xC0, s1;
	s28 =	simm.s32 $0xCCE8  }
0x172: {  	[hbm4b:s26+s3] =	stream.linear.scatter [tilespmem:s25], [sflag:$0x3], $0x80, $0x38;
	[tilespmem:$0x10A00] =	vst v63  }
0x173: {  	s29 =	sadd.s32 $0xD0, s1;
	s30 =	simm.s32 $0xCD70;
	s31 =	sadd.s32 $0xE0, s1  }
0x174: {  	[hbm4b:s29+s3] =	stream.linear.scatter [tilespmem:s28], [sflag:$0x3], $0x80, $0x38;
	[tilespmem:$0x10A00] =	vst v63  }
0x175: {  	s23 =	simm.s32 $0xCDF8;
	s25 =	simm.s32 $0x4400;
	s26 =	sadd.s32 $0xF0, s1  }
0x176: {  	[hbm4b:s31+s3] =	stream.linear.scatter [tilespmem:s30], [sflag:$0x3], $0x80, $0x38;
	[tilespmem:$0x10A00] =	vst v63  }
.LBB2_9:
0x177: {  	[hbm4b:s26+s3] =	stream.linear.scatter [tilespmem:s23], [sflag:$0x3], $0x80, $0x38;
	[tilespmem:$0x10A00] =	vst v63  }
0x178: {  	s23 =	smov.u32 s21;
	s1 =	smov.u32 s25  }
0x179: {  	s24 =	sadd.s32 $0x2200, s25;
	s21 =	sshra.s32 s1, $0x2;
	s1 =	sadd.s32 $0xC600, s23  }
0x17a: {  	[hbm4b:s22+s3] =	stream.linear.scatter [tilespmem:s1], [sflag:$0x3], $0x80, $0x38;
	[tilespmem:$0x10A00] =	vst v63  }
0x17b: {  	p0 =	sne.s32 s25, $0xEE00;
	s25 =	sadd.s32 $0x10, s22;
	s1 =	sadd.s32 $0xC688, s23  }
0x17c: {  	[hbm4b:s25+s3] =	stream.linear.scatter [tilespmem:s1], [sflag:$0x3], $0x80, $0x38;
	[tilespmem:$0x10A00] =	vst v63  }
0x17d: {  	s1 =	sadd.s32 $0xC710, s23;
	s25 =	sadd.s32 $0x20, s22  }
0x17e: {  	[hbm4b:s25+s3] =	stream.linear.scatter [tilespmem:s1], [sflag:$0x3], $0x80, $0x38;
	[tilespmem:$0x10A00] =	vst v63  }
0x17f: {  	s1 =	sadd.s32 $0xC798, s23;
	s25 =	sadd.s32 $0x30, s22  }
0x180: {  	[hbm4b:s25+s3] =	stream.linear.scatter [tilespmem:s1], [sflag:$0x3], $0x80, $0x38;
	[tilespmem:$0x10A00] =	vst v63  }
0x181: {  	s1 =	sadd.s32 $0xC820, s23;
	s25 =	sadd.s32 $0x40, s22  }
0x182: {  	[hbm4b:s25+s3] =	stream.linear.scatter [tilespmem:s1], [sflag:$0x3], $0x80, $0x38;
	[tilespmem:$0x10A00] =	vst v63  }
0x183: {  	s1 =	sadd.s32 $0xC8A8, s23;
	s25 =	sadd.s32 $0x50, s22  }
0x184: {  	[hbm4b:s25+s3] =	stream.linear.scatter [tilespmem:s1], [sflag:$0x3], $0x80, $0x38;
	[tilespmem:$0x10A00] =	vst v63  }
0x185: {  	s1 =	sadd.s32 $0xC930, s23;
	s25 =	sadd.s32 $0x60, s22  }
0x186: {  	[hbm4b:s25+s3] =	stream.linear.scatter [tilespmem:s1], [sflag:$0x3], $0x80, $0x38;
	[tilespmem:$0x10A00] =	vst v63  }
0x187: {  	s1 =	sadd.s32 $0xC9B8, s23;
	s25 =	sadd.s32 $0x70, s22  }
0x188: {  	[hbm4b:s25+s3] =	stream.linear.scatter [tilespmem:s1], [sflag:$0x3], $0x80, $0x38;
	[tilespmem:$0x10A00] =	vst v63  }
0x189: {  	s1 =	sadd.s32 $0xCA40, s23;
	s25 =	sadd.s32 $0x80, s22  }
0x18a: {  	[hbm4b:s25+s3] =	stream.linear.scatter [tilespmem:s1], [sflag:$0x3], $0x80, $0x38;
	[tilespmem:$0x10A00] =	vst v63  }
0x18b: {  	s1 =	sadd.s32 $0xCAC8, s23;
	s25 =	sadd.s32 $0x90, s22  }
0x18c: {  	[hbm4b:s25+s3] =	stream.linear.scatter [tilespmem:s1], [sflag:$0x3], $0x80, $0x38;
	[tilespmem:$0x10A00] =	vst v63  }
0x18d: {  	s1 =	sadd.s32 $0xCB50, s23;
	s25 =	sadd.s32 $0xA0, s22  }
0x18e: {  	[hbm4b:s25+s3] =	stream.linear.scatter [tilespmem:s1], [sflag:$0x3], $0x80, $0x38;
	[tilespmem:$0x10A00] =	vst v63  }
0x18f: {  	s1 =	sadd.s32 $0xCBD8, s23;
	s25 =	sadd.s32 $0xB0, s22  }
0x190: {  	[hbm4b:s25+s3] =	stream.linear.scatter [tilespmem:s1], [sflag:$0x3], $0x80, $0x38;
	[tilespmem:$0x10A00] =	vst v63  }
0x191: {  	s1 =	sadd.s32 $0xCC60, s23;
	s25 =	sadd.s32 $0xC0, s22  }
0x192: {  	[hbm4b:s25+s3] =	stream.linear.scatter [tilespmem:s1], [sflag:$0x3], $0x80, $0x38;
	[tilespmem:$0x10A00] =	vst v63  }
.Ltmp3:
0x193: {  	s1 =	sadd.s32 $0xCCE8, s23;
	s25 =	sadd.s32 $0xD0, s22;
	(pc) =	sbr.rel @p0 .LBB2_9-.Ltmp3, $4  }
0x194: {  	[hbm4b:s25+s3] =	stream.linear.scatter [tilespmem:s1], [sflag:$0x3], $0x80, $0x38;
	[tilespmem:$0x10A00] =	vst v63  }
0x195: {  	s26 =	sadd.s32 $0xF0, s22;
	s1 =	sadd.s32 $0xCD70, s23;
	s25 =	sadd.s32 $0xE0, s22  }
0x196: {  	[hbm4b:s25+s3] =	stream.linear.scatter [tilespmem:s1], [sflag:$0x3], $0x80, $0x38;
	[tilespmem:$0x10A00] =	vst v63  }
0x197: {  	s23 =	sadd.s32 $0xCDF8, s23;
	s22 =	sadd.s32 $0x1000, s22;
	s25 =	smov.u32 s24  }
0x198: {  	[hbm4b:s26+s3] =	stream.linear.scatter [tilespmem:s23], [sflag:$0x3], $0x80, $0x38;
	[tilespmem:$0x10A00] =	vst v63  }
0x199: {  	s1 =	sadd.s32 $0xC600, s21  }
0x19a: {  	[hbm4b:s22+s3] =	stream.linear.scatter [tilespmem:s1], [sflag:$0x3], $0x80, $0x38;
	[tilespmem:$0x10A00] =	vst v63  }
0x19b: {  	s25 =	sadd.s32 $0xC688, s21;
	s26 =	sadd.s32 $0x10, s22  }
0x19c: {  	[hbm4b:s26+s3] =	stream.linear.scatter [tilespmem:s25], [sflag:$0x3], $0x80, $0x38;
	[tilespmem:$0x10A00] =	vst v63  }
0x19d: {  	s28 =	sadd.s32 $0xC710, s21;
	s29 =	sadd.s32 $0x20, s22  }
0x19e: {  	[hbm4b:s29+s3] =	stream.linear.scatter [tilespmem:s28], [sflag:$0x3], $0x80, $0x38;
	[tilespmem:$0x10A00] =	vst v63  }
0x19f: {  	s30 =	sadd.s32 $0xC798, s21;
	s31 =	sadd.s32 $0x30, s22  }
0x1a0: {  	[hbm4b:s31+s3] =	stream.linear.scatter [tilespmem:s30], [sflag:$0x3], $0x80, $0x38;
	[tilespmem:$0x10A00] =	vst v63  }
0x1a1: {  	s23 =	sadd.s32 $0xC820, s21;
	s24 =	sadd.s32 $0x40, s22  }
0x1a2: {  	[hbm4b:s24+s3] =	stream.linear.scatter [tilespmem:s23], [sflag:$0x3], $0x80, $0x38;
	[tilespmem:$0x10A00] =	vst v63  }
0x1a3: {  	s25 =	sadd.s32 $0xC8A8, s21;
	s26 =	sadd.s32 $0x50, s22  }
0x1a4: {  	[hbm4b:s26+s3] =	stream.linear.scatter [tilespmem:s25], [sflag:$0x3], $0x80, $0x38;
	[tilespmem:$0x10A00] =	vst v63  }
0x1a5: {  	s28 =	sadd.s32 $0xC930, s21;
	s29 =	sadd.s32 $0x60, s22  }
0x1a6: {  	[hbm4b:s29+s3] =	stream.linear.scatter [tilespmem:s28], [sflag:$0x3], $0x80, $0x38;
	[tilespmem:$0x10A00] =	vst v63  }
0x1a7: {  	s30 =	sadd.s32 $0xC9B8, s21;
	s31 =	sadd.s32 $0x70, s22  }
0x1a8: {  	[hbm4b:s31+s3] =	stream.linear.scatter [tilespmem:s30], [sflag:$0x3], $0x80, $0x38;
	[tilespmem:$0x10A00] =	vst v63  }
0x1a9: {  	s23 =	sadd.s32 $0xCA40, s21;
	s24 =	sadd.s32 $0x80, s22  }
0x1aa: {  	[hbm4b:s24+s3] =	stream.linear.scatter [tilespmem:s23], [sflag:$0x3], $0x80, $0x38;
	[tilespmem:$0x10A00] =	vst v63  }
0x1ab: {  	s25 =	sadd.s32 $0xCAC8, s21;
	s26 =	sadd.s32 $0x90, s22  }
0x1ac: {  	[hbm4b:s26+s3] =	stream.linear.scatter [tilespmem:s25], [sflag:$0x3], $0x80, $0x38;
	[tilespmem:$0x10A00] =	vst v63  }
0x1ad: {  	s28 =	sadd.s32 $0xCB50, s21;
	s29 =	sadd.s32 $0xA0, s22  }
0x1ae: {  	[hbm4b:s29+s3] =	stream.linear.scatter [tilespmem:s28], [sflag:$0x3], $0x80, $0x38;
	[tilespmem:$0x10A00] =	vst v63  }
0x1af: {  	s30 =	sadd.s32 $0xCBD8, s21;
	s31 =	sadd.s32 $0xB0, s22  }
0x1b0: {  	[hbm4b:s31+s3] =	stream.linear.scatter [tilespmem:s30], [sflag:$0x3], $0x80, $0x38;
	[tilespmem:$0x10A00] =	vst v63  }
0x1b1: {  	s23 =	sadd.s32 $0xCC60, s21;
	s24 =	sadd.s32 $0xC0, s22  }
0x1b2: {  	[hbm4b:s24+s3] =	stream.linear.scatter [tilespmem:s23], [sflag:$0x3], $0x80, $0x38;
	[tilespmem:$0x10A00] =	vst v63  }
0x1b3: {  	s20 =	sadd.s32 $0x1, s20;
	s25 =	sadd.s32 $0xCCE8, s21;
	s26 =	sadd.s32 $0xD0, s22  }
0x1b4: {  	[hbm4b:s26+s3] =	stream.linear.scatter [tilespmem:s25], [sflag:$0x3], $0x80, $0x38;
	[tilespmem:$0x10A00] =	vst v63  }
0x1b5: {  	p0 =	sne.s32 s20, $0x32;
	s28 =	sadd.s32 $0xCD70, s21;
	s29 =	sadd.s32 $0xE0, s22  }
0x1b6: {  	[hbm4b:s29+s3] =	stream.linear.scatter [tilespmem:s28], [sflag:$0x3], $0x80, $0x38;
	[tilespmem:$0x10A00] =	vst v63  }
.Ltmp4:
0x1b7: {  	s30 =	sadd.s32 $0xCDF8, s21;
	s31 =	sadd.s32 $0xF0, s22;
	(pc) =	sbr.rel @p0 .LBB2_2-.Ltmp4, $4  }
0x1b8: {  	[hbm4b:s31+s3] =	stream.linear.scatter [tilespmem:s30], [sflag:$0x3], $0x80, $0x38;
	[tilespmem:$0x10A00] =	vst v63  }
0x1b9: {  	_ =	swait.ge [sflag:s11], $0x4000  }
0x1ba: {  	[sflag:s11] =	ssyncset.done $0x0  }
0x1bb: {  	[sflag:s11] =	ssyncadd.s32 $0xFFFFC000  }
0x1bc: {  	s19 =	sadd.s32 $0x1, s19  }
0x1bd: {  	p0 =	sne.s32 s19, s10  }
.Ltmp5:
0x1be: {  	_ = 	snop;
	(pc) =	sbr.rel @p0 .LBB2_1-.Ltmp5, $1  }
0x1bf: {  	_ =	sdelay $0x3  }
0x1c0: {  	_ =	sfence.sel $0x180000  }
0x1c1: {  	[bflag:$0x0] =	sbarrier.arrive $0xFFFF  }
0x1c2: {  	_ =	strace $0x90000047  }
0x1c3: {  	[bflag:$0x2] =	sbarrier.arrive $0xFFFF  }
0x1c4: {  	p0 =	sne.s32 s0, $0x0;
	s0 =	rddreg [dreg:$0x2]  }
0x1c5: {  	s0 =	sadd.s32 @!p0 $0x100000, s0  }
0x1c6: {  	[sflag:s0] =	ssyncadd.tile.s32 @!p0 $0x1;
	_ =	shalt  }
.Lfunc_end2:
_tile_overlayer_lowered:
.L_overlay_start_2:
0x1c7: {  	(tag) =	ssettag $0x2  }
0x1c8: {  	s0 =	rddreg [dreg:$0x0];
	s2 =	stileid.u32  }
0x1c9: {  	s1 =	rddreg [dreg:$0x1];
	p0 =	sne.s32 s2, $0x0  }
0x1ca: {  	s3 =	rddreg [dreg:$0x2];
	[bflag:$0x3] =	sbarrier.arrive $0xFFFF;
	s2 =	simm.s32 @!p0 $0x1C03  }
0x1cb: {  	[timem:s3], [sflag:s2] =	dma.local @!p0 [hbm:s0], s1  }
0x1cc: {  	s0 =	simm.s32 @!p0 $0x3  }
0x1cd: {  	_ =	swait.ge @!p0 [sflag:s0], s1  }
0x1ce: {  	s1 =	ssub.s32 @!p0 $0x0, s1;
	[sflag:s0] =	ssyncset.done @!p0 $0x0  }
0x1cf: {  	[sflag:s0] =	ssyncadd.s32 @!p0 s1  }
0x1d0: {  	[bflag:$0x3] =	sbarrier.arrive $0xFFFF  }
0x1d1: {  	_ =	shalt  }

</sc_bundles>
